<compile_context>
chip_gen: v7x
topology: tpu7x:2x2x1
jax: 0.10.2.dev20260603
libtpu: 0.0.44.dev20260713+nightly
codegen_flags: <defaults>
</compile_context>

<pallas_src>
import functools

import jax
import jax.numpy as jnp
from jax import lax
from jax.experimental import pallas as pl
from jax.experimental.pallas import tpu as pltpu
from jax.experimental.pallas import tpu_sc as plsc

NUM_NODES = 1000000
H_DIM = 32
BATCH = 16384

_NC = 2
_NS = 16
_NW = _NC * _NS
_BPW = BATCH // _NW
_C = 16
_NCHUNK = _BPW // _C
_L = 16
_TW = 128

_mesh = plsc.VectorSubcoreMesh(
    core_axis_name="c", subcore_axis_name="s", num_cores=_NC, num_subcores=_NS
)


@functools.partial(
    pl.kernel,
    mesh=_mesh,
    out_type=jax.ShapeDtypeStruct((H_DIM, BATCH), jnp.float32),
    scratch_types=[
        pltpu.VMEM((_BPW,), jnp.int32),
        pltpu.VMEM((_C, H_DIM, _TW), jnp.float32),
        pltpu.VMEM((H_DIM, _BPW), jnp.float32),
        pltpu.SemaphoreType.DMA,
    ],
    compiler_params=pltpu.CompilerParams(
        use_tc_tiling_on_sc=True, needs_layout_passes=False
    ),
)
def _gather_kernel(idx_hbm, table_hbm, out_hbm, idx_v, blocks_v, cols_v, sem):
    wid = lax.axis_index("s") * _NC + lax.axis_index("c")
    base = wid * _BPW
    pltpu.sync_copy(idx_hbm.at[pl.ds(base, _BPW)], idx_v)

    def chunk_body(c):
        cbase = c * _C
        for g in range(_C // _L):
            starts = idx_v[pl.ds(cbase + g * _L, _L)] & jnp.int32(-_TW)
            for i in range(_L):
                start = pl.multiple_of(starts[i], _TW)
                pltpu.async_copy(
                    table_hbm.at[:, pl.ds(start, _TW)],
                    blocks_v.at[g * _L + i],
                    sem,
                )
        for i in range(_C):
            pltpu.make_async_copy(
                table_hbm.at[:, pl.ds(0, _TW)], blocks_v.at[i], sem
            ).wait()
        for g in range(_C // _L):
            lvec = idx_v[pl.ds(cbase + g * _L, _L)] & jnp.int32(_TW - 1)
            bvec = lax.iota(jnp.int32, _L) + jnp.int32(g * _L)
            for j in range(H_DIM):
                jvec = jnp.full((_L,), j, jnp.int32)
                vals = plsc.load_gather(blocks_v, [bvec, jvec, lvec])
                cols_v[j, pl.ds(cbase + g * _L, _L)] = vals

    pl.loop(0, _NCHUNK)(chunk_body)
    pltpu.sync_copy(cols_v, out_hbm.at[:, pl.ds(base, _BPW)])


def kernel(g, h, r, norm, embedding):
    idx = jnp.squeeze(h).astype(jnp.int32)
    out_t = _gather_kernel(idx, embedding.T)
    return out_t.T

# --- scband reference (transcript-rebuilt; emitter-appended) ---
"""Pipeline reference for scband-embedding-layer-15315853377801 (READ-ONLY COPY).

The authoritative reference and input builder live on the scoring server;
editing this copy changes nothing except your own understanding.
"""

import jax, jax.numpy as jnp
import numpy as np

NUM_NODES = 1000000
H_DIM = 32
BATCH = 16384

def setup_inputs(seed: int = 0) -> dict:
    key = jax.random.key(seed)
    k_g, k_h, k_r, k_norm, k_emb = jax.random.split(key, 5)
    g = jnp.zeros((1,), dtype=jnp.float32)
    h = jax.random.randint(k_h, (BATCH,), 0, NUM_NODES, dtype=jnp.int64) if jax.config.jax_enable_x64 else jax.random.randint(k_h, (BATCH,), 0, NUM_NODES).astype(jnp.int32)
    r = jax.random.randint(k_r, (BATCH,), 0, NUM_NODES).astype(h.dtype)
    norm = jax.random.uniform(k_norm, (BATCH, 1), dtype=jnp.float32)
    embedding = jax.random.normal(k_emb, (NUM_NODES, H_DIM), dtype=jnp.float32)
    return {"g": g, "h": h, "r": r, "norm": norm, "embedding": embedding}

def reference(g, h, r, norm, embedding):
    # EmbeddingLayer.forward: self.embedding(h.squeeze())
    idx = jnp.squeeze(h)
    return jnp.take(embedding, idx, axis=0)

if __name__ == "__main__":
    import jax
    _d = setup_inputs()
    print(jax.jit(kernel)(*tuple(_d.values())))

</pallas_src>

<mosaic_0001>
#map = affine_map<(d0, d1) -> (0)>
#map1 = affine_map<(d0, d1) -> (0, 0)>
module attributes {stable_mosaic.version = 14 : i64} {
  func.func @_gather_kernel(%arg0: i32, %arg1: i32, %arg2: memref<16384xi32, #tpu.memory_space<hbm>>, %arg3: memref<32x1000000xf32, #tpu.memory_space<hbm>>, %arg4: memref<32x16384xf32, #tpu.memory_space<hbm>>, %arg5: memref<512xi32, #tpu.memory_space<vmem>>, %arg6: memref<16x32x128xf32, #tpu.memory_space<vmem>>, %arg7: memref<32x512xf32, #tpu.memory_space<vmem>>, %arg8: memref<!tpu.dma_semaphore, #tpu.memory_space<semaphore_mem>>) attributes {dimension_semantics = [#tpu.dimension_semantics<core_parallel>, #tpu.dimension_semantics<subcore_parallel>], iteration_bounds = array<i64: 2, 16>, scalar_prefetch = 0 : i64, scratch_operands = 4 : i64, tpu.core_type = #tpu.core_type<sc_vector_subcore>, window_params = [{transform_indices = #map}, {transform_indices = #map1}, {transform_indices = #map1}]} {
    %mul3A = arith.constant 2 : i32
    %mul3A_0 = arith.muli %arg1, %mul3A : i32
    %add3A = arith.addi %mul3A_0, %arg0 : i32
    %mul3A_1 = arith.constant 512 : i32
    %mul3A_2 = arith.muli %add3A, %mul3A_1 : i32
    "tpu.region"() ({
      %run_scoped3A = tpu.sem_alloc : memref<!tpu.dma_semaphore, #tpu.memory_space<semaphore_mem>>
      %dma_start3A = tpu.memref_slice %arg2[%mul3A_2] : memref<16384xi32, #tpu.memory_space<hbm>> -> memref<512xi32, #tpu.memory_space<hbm>>
      %dma_start3A_7 = tpu.memref_slice %arg2[%mul3A_2] : memref<16384xi32, #tpu.memory_space<hbm>> -> memref<512xi32, #tpu.memory_space<hbm>>
      tpu.enqueue_dma source(%dma_start3A_7 : memref<512xi32, #tpu.memory_space<hbm>>) target(%arg5 : memref<512xi32, #tpu.memory_space<vmem>>) target_semaphore(%run_scoped3A : memref<!tpu.dma_semaphore, #tpu.memory_space<semaphore_mem>>)
      %dma_wait3A = tpu.memref_slice %arg2[%mul3A_2] : memref<16384xi32, #tpu.memory_space<hbm>> -> memref<512xi32, #tpu.memory_space<hbm>>
      %dma_wait3A_8 = tpu.memref_slice %arg2[%mul3A_2] : memref<16384xi32, #tpu.memory_space<hbm>> -> memref<512xi32, #tpu.memory_space<hbm>>
      tpu.wait_dma2 semaphore(%run_scoped3A : memref<!tpu.dma_semaphore, #tpu.memory_space<semaphore_mem>>) src(%dma_wait3A_8 : memref<512xi32, #tpu.memory_space<hbm>>) dst(%arg5 : memref<512xi32, #tpu.memory_space<vmem>>)
      tpu.yield
    }) : () -> ()
    %scan3A = arith.constant 0 : i32
    %scan3A_3 = arith.constant 32 : i32
    %scan3A_4 = arith.addi %scan3A, %scan3A_3 : i32
    %scan3A_5 = arith.constant 1 : i32
    scf.for %scan3A_7 = %scan3A to %scan3A_4 step %scan3A_5  : i32 {
      %mul3A_8 = arith.constant 1 : i32
      %mul3A_9 = arith.muli %scan3A_7, %mul3A_8 : i32
      %add3A_10 = arith.constant 0 : i32
      %add3A_11 = arith.addi %add3A_10, %mul3A_9 : i32
      %mul3A_12 = arith.constant 16 : i32
      %mul3A_13 = arith.muli %add3A_11, %mul3A_12 : i32
      %add3A_14 = arith.constant 0 : i32
      %add3A_15 = arith.addi %mul3A_13, %add3A_14 : i32
      %get3A = arith.index_cast %add3A_15 : i32 to index
      %get3A_16 = tpu.vector_load %arg5[%get3A] {strides = array<i32>} : memref<512xi32, #tpu.memory_space<vmem>>, vector<16xi32>,
      %and3A = arith.constant -128 : i32
      %and3A_17 = vector.broadcast %and3A : i32 to vector<16xi32>
      %and3A_18 = arith.andi %get3A_16, %and3A_17 : vector<16xi32>
      %slice3A = vector.extract_strided_slice %and3A_18 {offsets = [0], sizes = [1], strides = [1]} : vector<16xi32> to vector<1xi32>
      %squeeze3A = vector.extract %slice3A[0] : i32 from vector<1xi32>
      %multiple_of3A = tpu.assume_multiple %squeeze3A, 128 : i32
      %dma_start3A = arith.constant 0 : i32
      %dma_start3A_19 = arith.constant 0 : i32
      %dma_start3A_20 = arith.constant 0 : i32
      %dma_start3A_21 = tpu.memref_slice %arg6[%dma_start3A, %dma_start3A_19, %dma_start3A_20] : memref<16x32x128xf32, #tpu.memory_space<vmem>> -> memref<1x32x128xf32, #tpu.memory_space<vmem>>
      %dma_start3A_22 = tpu.memref_squeeze %dma_start3A_21 : memref<1x32x128xf32, #tpu.memory_space<vmem>> -> memref<32x128xf32, #tpu.memory_space<vmem>>
      %dma_start3A_23 = arith.constant 0 : i32
      %dma_start3A_24 = tpu.memref_slice %arg3[%dma_start3A_23, %multiple_of3A] : memref<32x1000000xf32, #tpu.memory_space<hbm>> -> memref<32x128xf32, #tpu.memory_space<hbm>>
      %dma_start3A_25 = arith.constant 0 : i32
      %dma_start3A_26 = arith.constant 0 : i32
      %dma_start3A_27 = tpu.memref_slice %arg6[%dma_start3A, %dma_start3A_25, %dma_start3A_26] : memref<16x32x128xf32, #tpu.memory_space<vmem>> -> memref<1x32x128xf32, #tpu.memory_space<vmem>>
      %dma_start3A_28 = tpu.memref_squeeze %dma_start3A_27 : memref<1x32x128xf32, #tpu.memory_space<vmem>> -> memref<32x128xf32, #tpu.memory_space<vmem>>
      %dma_start3A_29 = arith.constant 0 : i32
      %dma_start3A_30 = tpu.memref_slice %arg3[%dma_start3A_29, %multiple_of3A] : memref<32x1000000xf32, #tpu.memory_space<hbm>> -> memref<32x128xf32, #tpu.memory_space<hbm>>
      tpu.enqueue_dma source(%dma_start3A_30 : memref<32x128xf32, #tpu.memory_space<hbm>>) target(%dma_start3A_28 : memref<32x128xf32, #tpu.memory_space<vmem>>) target_semaphore(%arg8 : memref<!tpu.dma_semaphore, #tpu.memory_space<semaphore_mem>>)
      %slice3A_31 = vector.extract_strided_slice %and3A_18 {offsets = [1], sizes = [1], strides = [1]} : vector<16xi32> to vector<1xi32>
      %squeeze3A_32 = vector.extract %slice3A_31[0] : i32 from vector<1xi32>
      %multiple_of3A_33 = tpu.assume_multiple %squeeze3A_32, 128 : i32
      %dma_start3A_34 = arith.constant 1 : i32
      %dma_start3A_35 = arith.constant 0 : i32
      %dma_start3A_36 = arith.constant 0 : i32
      %dma_start3A_37 = tpu.memref_slice %arg6[%dma_start3A_34, %dma_start3A_35, %dma_start3A_36] : memref<16x32x128xf32, #tpu.memory_space<vmem>> -> memref<1x32x128xf32, #tpu.memory_space<vmem>>
      %dma_start3A_38 = tpu.memref_squeeze %dma_start3A_37 : memref<1x32x128xf32, #tpu.memory_space<vmem>> -> memref<32x128xf32, #tpu.memory_space<vmem>>
      %dma_start3A_39 = arith.constant 0 : i32
      %dma_start3A_40 = tpu.memref_slice %arg3[%dma_start3A_39, %multiple_of3A_33] : memref<32x1000000xf32, #tpu.memory_space<hbm>> -> memref<32x128xf32, #tpu.memory_space<hbm>>
      %dma_start3A_41 = arith.constant 0 : i32
      %dma_start3A_42 = arith.constant 0 : i32
      %dma_start3A_43 = tpu.memref_slice %arg6[%dma_start3A_34, %dma_start3A_41, %dma_start3A_42] : memref<16x32x128xf32, #tpu.memory_space<vmem>> -> memref<1x32x128xf32, #tpu.memory_space<vmem>>
      %dma_start3A_44 = tpu.memref_squeeze %dma_start3A_43 : memref<1x32x128xf32, #tpu.memory_space<vmem>> -> memref<32x128xf32, #tpu.memory_space<vmem>>
      %dma_start3A_45 = arith.constant 0 : i32
      %dma_start3A_46 = tpu.memref_slice %arg3[%dma_start3A_45, %multiple_of3A_33] : memref<32x1000000xf32, #tpu.memory_space<hbm>> -> memref<32x128xf32, #tpu.memory_space<hbm>>
      tpu.enqueue_dma source(%dma_start3A_46 : memref<32x128xf32, #tpu.memory_space<hbm>>) target(%dma_start3A_44 : memref<32x128xf32, #tpu.memory_space<vmem>>) target_semaphore(%arg8 : memref<!tpu.dma_semaphore, #tpu.memory_space<semaphore_mem>>)
      %slice3A_47 = vector.extract_strided_slice %and3A_18 {offsets = [2], sizes = [1], strides = [1]} : vector<16xi32> to vector<1xi32>
      %squeeze3A_48 = vector.extract %slice3A_47[0] : i32 from vector<1xi32>
      %multiple_of3A_49 = tpu.assume_multiple %squeeze3A_48, 128 : i32
      %dma_start3A_50 = arith.constant 2 : i32
      %dma_start3A_51 = arith.constant 0 : i32
      %dma_start3A_52 = arith.constant 0 : i32
      %dma_start3A_53 = tpu.memref_slice %arg6[%dma_start3A_50, %dma_start3A_51, %dma_start3A_52] : memref<16x32x128xf32, #tpu.memory_space<vmem>> -> memref<1x32x128xf32, #tpu.memory_space<vmem>>
      %dma_start3A_54 = tpu.memref_squeeze %dma_start3A_53 : memref<1x32x128xf32, #tpu.memory_space<vmem>> -> memref<32x128xf32, #tpu.memory_space<vmem>>
      %dma_start3A_55 = arith.constant 0 : i32
      %dma_start3A_56 = tpu.memref_slice %arg3[%dma_start3A_55, %multiple_of3A_49] : memref<32x1000000xf32, #tpu.memory_space<hbm>> -> memref<32x128xf32, #tpu.memory_space<hbm>>
      %dma_start3A_57 = arith.constant 0 : i32
      %dma_start3A_58 = arith.constant 0 : i32
      %dma_start3A_59 = tpu.memref_slice %arg6[%dma_start3A_50, %dma_start3A_57, %dma_start3A_58] : memref<16x32x128xf32, #tpu.memory_space<vmem>> -> memref<1x32x128xf32, #tpu.memory_space<vmem>>
      %dma_start3A_60 = tpu.memref_squeeze %dma_start3A_59 : memref<1x32x128xf32, #tpu.memory_space<vmem>> -> memref<32x128xf32, #tpu.memory_space<vmem>>
      %dma_start3A_61 = arith.constant 0 : i32
      %dma_start3A_62 = tpu.memref_slice %arg3[%dma_start3A_61, %multiple_of3A_49] : memref<32x1000000xf32, #tpu.memory_space<hbm>> -> memref<32x128xf32, #tpu.memory_space<hbm>>
      tpu.enqueue_dma source(%dma_start3A_62 : memref<32x128xf32, #tpu.memory_space<hbm>>) target(%dma_start3A_60 : memref<32x128xf32, #tpu.memory_space<vmem>>) target_semaphore(%arg8 : memref<!tpu.dma_semaphore, #tpu.memory_space<semaphore_mem>>)
      %slice3A_63 = vector.extract_strided_slice %and3A_18 {offsets = [3], sizes = [1], strides = [1]} : vector<16xi32> to vector<1xi32>
      %squeeze3A_64 = vector.extract %slice3A_63[0] : i32 from vector<1xi32>
      %multiple_of3A_65 = tpu.assume_multiple %squeeze3A_64, 128 : i32
      %dma_start3A_66 = arith.constant 3 : i32
      %dma_start3A_67 = arith.constant 0 : i32
      %dma_start3A_68 = arith.constant 0 : i32
      %dma_start3A_69 = tpu.memref_slice %arg6[%dma_start3A_66, %dma_start3A_67, %dma_start3A_68] : memref<16x32x128xf32, #tpu.memory_space<vmem>> -> memref<1x32x128xf32, #tpu.memory_space<vmem>>
      %dma_start3A_70 = tpu.memref_squeeze %dma_start3A_69 : memref<1x32x128xf32, #tpu.memory_space<vmem>> -> memref<32x128xf32, #tpu.memory_space<vmem>>
      %dma_start3A_71 = arith.constant 0 : i32
      %dma_start3A_72 = tpu.memref_slice %arg3[%dma_start3A_71, %multiple_of3A_65] : memref<32x1000000xf32, #tpu.memory_space<hbm>> -> memref<32x128xf32, #tpu.memory_space<hbm>>
      %dma_start3A_73 = arith.constant 0 : i32
      %dma_start3A_74 = arith.constant 0 : i32
      %dma_start3A_75 = tpu.memref_slice %arg6[%dma_start3A_66, %dma_start3A_73, %dma_start3A_74] : memref<16x32x128xf32, #tpu.memory_space<vmem>> -> memref<1x32x128xf32, #tpu.memory_space<vmem>>
      %dma_start3A_76 = tpu.memref_squeeze %dma_start3A_75 : memref<1x32x128xf32, #tpu.memory_space<vmem>> -> memref<32x128xf32, #tpu.memory_space<vmem>>
      %dma_start3A_77 = arith.constant 0 : i32
      %dma_start3A_78 = tpu.memref_slice %arg3[%dma_start3A_77, %multiple_of3A_65] : memref<32x1000000xf32, #tpu.memory_space<hbm>> -> memref<32x128xf32, #tpu.memory_space<hbm>>
      tpu.enqueue_dma source(%dma_start3A_78 : memref<32x128xf32, #tpu.memory_space<hbm>>) target(%dma_start3A_76 : memref<32x128xf32, #tpu.memory_space<vmem>>) target_semaphore(%arg8 : memref<!tpu.dma_semaphore, #tpu.memory_space<semaphore_mem>>)
      %slice3A_79 = vector.extract_strided_slice %and3A_18 {offsets = [4], sizes = [1], strides = [1]} : vector<16xi32> to vector<1xi32>
      %squeeze3A_80 = vector.extract %slice3A_79[0] : i32 from vector<1xi32>
      %multiple_of3A_81 = tpu.assume_multiple %squeeze3A_80, 128 : i32
      %dma_start3A_82 = arith.constant 4 : i32
      %dma_start3A_83 = arith.constant 0 : i32
      %dma_start3A_84 = arith.constant 0 : i32
      %dma_start3A_85 = tpu.memref_slice %arg6[%dma_start3A_82, %dma_start3A_83, %dma_start3A_84] : memref<16x32x128xf32, #tpu.memory_space<vmem>> -> memref<1x32x128xf32, #tpu.memory_space<vmem>>
      %dma_start3A_86 = tpu.memref_squeeze %dma_start3A_85 : memref<1x32x128xf32, #tpu.memory_space<vmem>> -> memref<32x128xf32, #tpu.memory_space<vmem>>
      %dma_start3A_87 = arith.constant 0 : i32
      %dma_start3A_88 = tpu.memref_slice %arg3[%dma_start3A_87, %multiple_of3A_81] : memref<32x1000000xf32, #tpu.memory_space<hbm>> -> memref<32x128xf32, #tpu.memory_space<hbm>>
      %dma_start3A_89 = arith.constant 0 : i32
      %dma_start3A_90 = arith.constant 0 : i32
      %dma_start3A_91 = tpu.memref_slice %arg6[%dma_start3A_82, %dma_start3A_89, %dma_start3A_90] : memref<16x32x128xf32, #tpu.memory_space<vmem>> -> memref<1x32x128xf32, #tpu.memory_space<vmem>>
      %dma_start3A_92 = tpu.memref_squeeze %dma_start3A_91 : memref<1x32x128xf32, #tpu.memory_space<vmem>> -> memref<32x128xf32, #tpu.memory_space<vmem>>
      %dma_start3A_93 = arith.constant 0 : i32
      %dma_start3A_94 = tpu.memref_slice %arg3[%dma_start3A_93, %multiple_of3A_81] : memref<32x1000000xf32, #tpu.memory_space<hbm>> -> memref<32x128xf32, #tpu.memory_space<hbm>>
      tpu.enqueue_dma source(%dma_start3A_94 : memref<32x128xf32, #tpu.memory_space<hbm>>) target(%dma_start3A_92 : memref<32x128xf32, #tpu.memory_space<vmem>>) target_semaphore(%arg8 : memref<!tpu.dma_semaphore, #tpu.memory_space<semaphore_mem>>)
      %slice3A_95 = vector.extract_strided_slice %and3A_18 {offsets = [5], sizes = [1], strides = [1]} : vector<16xi32> to vector<1xi32>
      %squeeze3A_96 = vector.extract %slice3A_95[0] : i32 from vector<1xi32>
      %multiple_of3A_97 = tpu.assume_multiple %squeeze3A_96, 128 : i32
      %dma_start3A_98 = arith.constant 5 : i32
      %dma_start3A_99 = arith.constant 0 : i32
      %dma_start3A_100 = arith.constant 0 : i32
      %dma_start3A_101 = tpu.memref_slice %arg6[%dma_start3A_98, %dma_start3A_99, %dma_start3A_100] : memref<16x32x128xf32, #tpu.memory_space<vmem>> -> memref<1x32x128xf32, #tpu.memory_space<vmem>>
      %dma_start3A_102 = tpu.memref_squeeze %dma_start3A_101 : memref<1x32x128xf32, #tpu.memory_space<vmem>> -> memref<32x128xf32, #tpu.memory_space<vmem>>
      %dma_start3A_103 = arith.constant 0 : i32
      %dma_start3A_104 = tpu.memref_slice %arg3[%dma_start3A_103, %multiple_of3A_97] : memref<32x1000000xf32, #tpu.memory_space<hbm>> -> memref<32x128xf32, #tpu.memory_space<hbm>>
      %dma_start3A_105 = arith.constant 0 : i32
      %dma_start3A_106 = arith.constant 0 : i32
      %dma_start3A_107 = tpu.memref_slice %arg6[%dma_start3A_98, %dma_start3A_105, %dma_start3A_106] : memref<16x32x128xf32, #tpu.memory_space<vmem>> -> memref<1x32x128xf32, #tpu.memory_space<vmem>>
      %dma_start3A_108 = tpu.memref_squeeze %dma_start3A_107 : memref<1x32x128xf32, #tpu.memory_space<vmem>> -> memref<32x128xf32, #tpu.memory_space<vmem>>
      %dma_start3A_109 = arith.constant 0 : i32
      %dma_start3A_110 = tpu.memref_slice %arg3[%dma_start3A_109, %multiple_of3A_97] : memref<32x1000000xf32, #tpu.memory_space<hbm>> -> memref<32x128xf32, #tpu.memory_space<hbm>>
      tpu.enqueue_dma source(%dma_start3A_110 : memref<32x128xf32, #tpu.memory_space<hbm>>) target(%dma_start3A_108 : memref<32x128xf32, #tpu.memory_space<vmem>>) target_semaphore(%arg8 : memref<!tpu.dma_semaphore, #tpu.memory_space<semaphore_mem>>)
      %slice3A_111 = vector.extract_strided_slice %and3A_18 {offsets = [6], sizes = [1], strides = [1]} : vector<16xi32> to vector<1xi32>
      %squeeze3A_112 = vector.extract %slice3A_111[0] : i32 from vector<1xi32>
      %multiple_of3A_113 = tpu.assume_multiple %squeeze3A_112, 128 : i32
      %dma_start3A_114 = arith.constant 6 : i32
      %dma_start3A_115 = arith.constant 0 : i32
      %dma_start3A_116 = arith.constant 0 : i32
      %dma_start3A_117 = tpu.memref_slice %arg6[%dma_start3A_114, %dma_start3A_115, %dma_start3A_116] : memref<16x32x128xf32, #tpu.memory_space<vmem>> -> memref<1x32x128xf32, #tpu.memory_space<vmem>>
      %dma_start3A_118 = tpu.memref_squeeze %dma_start3A_117 : memref<1x32x128xf32, #tpu.memory_space<vmem>> -> memref<32x128xf32, #tpu.memory_space<vmem>>
      %dma_start3A_119 = arith.constant 0 : i32
      %dma_start3A_120 = tpu.memref_slice %arg3[%dma_start3A_119, %multiple_of3A_113] : memref<32x1000000xf32, #tpu.memory_space<hbm>> -> memref<32x128xf32, #tpu.memory_space<hbm>>
      %dma_start3A_121 = arith.constant 0 : i32
      %dma_start3A_122 = arith.constant 0 : i32
      %dma_start3A_123 = tpu.memref_slice %arg6[%dma_start3A_114, %dma_start3A_121, %dma_start3A_122] : memref<16x32x128xf32, #tpu.memory_space<vmem>> -> memref<1x32x128xf32, #tpu.memory_space<vmem>>
      %dma_start3A_124 = tpu.memref_squeeze %dma_start3A_123 : memref<1x32x128xf32, #tpu.memory_space<vmem>> -> memref<32x128xf32, #tpu.memory_space<vmem>>
      %dma_start3A_125 = arith.constant 0 : i32
      %dma_start3A_126 = tpu.memref_slice %arg3[%dma_start3A_125, %multiple_of3A_113] : memref<32x1000000xf32, #tpu.memory_space<hbm>> -> memref<32x128xf32, #tpu.memory_space<hbm>>
      tpu.enqueue_dma source(%dma_start3A_126 : memref<32x128xf32, #tpu.memory_space<hbm>>) target(%dma_start3A_124 : memref<32x128xf32, #tpu.memory_space<vmem>>) target_semaphore(%arg8 : memref<!tpu.dma_semaphore, #tpu.memory_space<semaphore_mem>>)
      %slice3A_127 = vector.extract_strided_slice %and3A_18 {offsets = [7], sizes = [1], strides = [1]} : vector<16xi32> to vector<1xi32>
      %squeeze3A_128 = vector.extract %slice3A_127[0] : i32 from vector<1xi32>
      %multiple_of3A_129 = tpu.assume_multiple %squeeze3A_128, 128 : i32
      %dma_start3A_130 = arith.constant 7 : i32
      %dma_start3A_131 = arith.constant 0 : i32
      %dma_start3A_132 = arith.constant 0 : i32
      %dma_start3A_133 = tpu.memref_slice %arg6[%dma_start3A_130, %dma_start3A_131, %dma_start3A_132] : memref<16x32x128xf32, #tpu.memory_space<vmem>> -> memref<1x32x128xf32, #tpu.memory_space<vmem>>
      %dma_start3A_134 = tpu.memref_squeeze %dma_start3A_133 : memref<1x32x128xf32, #tpu.memory_space<vmem>> -> memref<32x128xf32, #tpu.memory_space<vmem>>
      %dma_start3A_135 = arith.constant 0 : i32
      %dma_start3A_136 = tpu.memref_slice %arg3[%dma_start3A_135, %multiple_of3A_129] : memref<32x1000000xf32, #tpu.memory_space<hbm>> -> memref<32x128xf32, #tpu.memory_space<hbm>>
      %dma_start3A_137 = arith.constant 0 : i32
      %dma_start3A_138 = arith.constant 0 : i32
      %dma_start3A_139 = tpu.memref_slice %arg6[%dma_start3A_130, %dma_start3A_137, %dma_start3A_138] : memref<16x32x128xf32, #tpu.memory_space<vmem>> -> memref<1x32x128xf32, #tpu.memory_space<vmem>>
      %dma_start3A_140 = tpu.memref_squeeze %dma_start3A_139 : memref<1x32x128xf32, #tpu.memory_space<vmem>> -> memref<32x128xf32, #tpu.memory_space<vmem>>
      %dma_start3A_141 = arith.constant 0 : i32
      %dma_start3A_142 = tpu.memref_slice %arg3[%dma_start3A_141, %multiple_of3A_129] : memref<32x1000000xf32, #tpu.memory_space<hbm>> -> memref<32x128xf32, #tpu.memory_space<hbm>>
      tpu.enqueue_dma source(%dma_start3A_142 : memref<32x128xf32, #tpu.memory_space<hbm>>) target(%dma_start3A_140 : memref<32x128xf32, #tpu.memory_space<vmem>>) target_semaphore(%arg8 : memref<!tpu.dma_semaphore, #tpu.memory_space<semaphore_mem>>)
      %slice3A_143 = vector.extract_strided_slice %and3A_18 {offsets = [8], sizes = [1], strides = [1]} : vector<16xi32> to vector<1xi32>
      %squeeze3A_144 = vector.extract %slice3A_143[0] : i32 from vector<1xi32>
      %multiple_of3A_145 = tpu.assume_multiple %squeeze3A_144, 128 : i32
      %dma_start3A_146 = arith.constant 8 : i32
      %dma_start3A_147 = arith.constant 0 : i32
      %dma_start3A_148 = arith.constant 0 : i32
      %dma_start3A_149 = tpu.memref_slice %arg6[%dma_start3A_146, %dma_start3A_147, %dma_start3A_148] : memref<16x32x128xf32, #tpu.memory_space<vmem>> -> memref<1x32x128xf32, #tpu.memory_space<vmem>>
      %dma_start3A_150 = tpu.memref_squeeze %dma_start3A_149 : memref<1x32x128xf32, #tpu.memory_space<vmem>> -> memref<32x128xf32, #tpu.memory_space<vmem>>
      %dma_start3A_151 = arith.constant 0 : i32
      %dma_start3A_152 = tpu.memref_slice %arg3[%dma_start3A_151, %multiple_of3A_145] : memref<32x1000000xf32, #tpu.memory_space<hbm>> -> memref<32x128xf32, #tpu.memory_space<hbm>>
      %dma_start3A_153 = arith.constant 0 : i32
      %dma_start3A_154 = arith.constant 0 : i32
      %dma_start3A_155 = tpu.memref_slice %arg6[%dma_start3A_146, %dma_start3A_153, %dma_start3A_154] : memref<16x32x128xf32, #tpu.memory_space<vmem>> -> memref<1x32x128xf32, #tpu.memory_space<vmem>>
      %dma_start3A_156 = tpu.memref_squeeze %dma_start3A_155 : memref<1x32x128xf32, #tpu.memory_space<vmem>> -> memref<32x128xf32, #tpu.memory_space<vmem>>
      %dma_start3A_157 = arith.constant 0 : i32
      %dma_start3A_158 = tpu.memref_slice %arg3[%dma_start3A_157, %multiple_of3A_145] : memref<32x1000000xf32, #tpu.memory_space<hbm>> -> memref<32x128xf32, #tpu.memory_space<hbm>>
      tpu.enqueue_dma source(%dma_start3A_158 : memref<32x128xf32, #tpu.memory_space<hbm>>) target(%dma_start3A_156 : memref<32x128xf32, #tpu.memory_space<vmem>>) target_semaphore(%arg8 : memref<!tpu.dma_semaphore, #tpu.memory_space<semaphore_mem>>)
      %slice3A_159 = vector.extract_strided_slice %and3A_18 {offsets = [9], sizes = [1], strides = [1]} : vector<16xi32> to vector<1xi32>
      %squeeze3A_160 = vector.extract %slice3A_159[0] : i32 from vector<1xi32>
      %multiple_of3A_161 = tpu.assume_multiple %squeeze3A_160, 128 : i32
      %dma_start3A_162 = arith.constant 9 : i32
      %dma_start3A_163 = arith.constant 0 : i32
      %dma_start3A_164 = arith.constant 0 : i32
      %dma_start3A_165 = tpu.memref_slice %arg6[%dma_start3A_162, %dma_start3A_163, %dma_start3A_164] : memref<16x32x128xf32, #tpu.memory_space<vmem>> -> memref<1x32x128xf32, #tpu.memory_space<vmem>>
      %dma_start3A_166 = tpu.memref_squeeze %dma_start3A_165 : memref<1x32x128xf32, #tpu.memory_space<vmem>> -> memref<32x128xf32, #tpu.memory_space<vmem>>
      %dma_start3A_167 = arith.constant 0 : i32
      %dma_start3A_168 = tpu.memref_slice %arg3[%dma_start3A_167, %multiple_of3A_161] : memref<32x1000000xf32, #tpu.memory_space<hbm>> -> memref<32x128xf32, #tpu.memory_space<hbm>>
      %dma_start3A_169 = arith.constant 0 : i32
      %dma_start3A_170 = arith.constant 0 : i32
      %dma_start3A_171 = tpu.memref_slice %arg6[%dma_start3A_162, %dma_start3A_169, %dma_start3A_170] : memref<16x32x128xf32, #tpu.memory_space<vmem>> -> memref<1x32x128xf32, #tpu.memory_space<vmem>>
      %dma_start3A_172 = tpu.memref_squeeze %dma_start3A_171 : memref<1x32x128xf32, #tpu.memory_space<vmem>> -> memref<32x128xf32, #tpu.memory_space<vmem>>
      %dma_start3A_173 = arith.constant 0 : i32
      %dma_start3A_174 = tpu.memref_slice %arg3[%dma_start3A_173, %multiple_of3A_161] : memref<32x1000000xf32, #tpu.memory_space<hbm>> -> memref<32x128xf32, #tpu.memory_space<hbm>>
      tpu.enqueue_dma source(%dma_start3A_174 : memref<32x128xf32, #tpu.memory_space<hbm>>) target(%dma_start3A_172 : memref<32x128xf32, #tpu.memory_space<vmem>>) target_semaphore(%arg8 : memref<!tpu.dma_semaphore, #tpu.memory_space<semaphore_mem>>)
      %slice3A_175 = vector.extract_strided_slice %and3A_18 {offsets = [10], sizes = [1], strides = [1]} : vector<16xi32> to vector<1xi32>
      %squeeze3A_176 = vector.extract %slice3A_175[0] : i32 from vector<1xi32>
      %multiple_of3A_177 = tpu.assume_multiple %squeeze3A_176, 128 : i32
      %dma_start3A_178 = arith.constant 10 : i32
      %dma_start3A_179 = arith.constant 0 : i32
      %dma_start3A_180 = arith.constant 0 : i32
      %dma_start3A_181 = tpu.memref_slice %arg6[%dma_start3A_178, %dma_start3A_179, %dma_start3A_180] : memref<16x32x128xf32, #tpu.memory_space<vmem>> -> memref<1x32x128xf32, #tpu.memory_space<vmem>>
      %dma_start3A_182 = tpu.memref_squeeze %dma_start3A_181 : memref<1x32x128xf32, #tpu.memory_space<vmem>> -> memref<32x128xf32, #tpu.memory_space<vmem>>
      %dma_start3A_183 = arith.constant 0 : i32
      %dma_start3A_184 = tpu.memref_slice %arg3[%dma_start3A_183, %multiple_of3A_177] : memref<32x1000000xf32, #tpu.memory_space<hbm>> -> memref<32x128xf32, #tpu.memory_space<hbm>>
      %dma_start3A_185 = arith.constant 0 : i32
      %dma_start3A_186 = arith.constant 0 : i32
      %dma_start3A_187 = tpu.memref_slice %arg6[%dma_start3A_178, %dma_start3A_185, %dma_start3A_186] : memref<16x32x128xf32, #tpu.memory_space<vmem>> -> memref<1x32x128xf32, #tpu.memory_space<vmem>>
      %dma_start3A_188 = tpu.memref_squeeze %dma_start3A_187 : memref<1x32x128xf32, #tpu.memory_space<vmem>> -> memref<32x128xf32, #tpu.memory_space<vmem>>
      %dma_start3A_189 = arith.constant 0 : i32
      %dma_start3A_190 = tpu.memref_slice %arg3[%dma_start3A_189, %multiple_of3A_177] : memref<32x1000000xf32, #tpu.memory_space<hbm>> -> memref<32x128xf32, #tpu.memory_space<hbm>>
      tpu.enqueue_dma source(%dma_start3A_190 : memref<32x128xf32, #tpu.memory_space<hbm>>) target(%dma_start3A_188 : memref<32x128xf32, #tpu.memory_space<vmem>>) target_semaphore(%arg8 : memref<!tpu.dma_semaphore, #tpu.memory_space<semaphore_mem>>)
      %slice3A_191 = vector.extract_strided_slice %and3A_18 {offsets = [11], sizes = [1], strides = [1]} : vector<16xi32> to vector<1xi32>
      %squeeze3A_192 = vector.extract %slice3A_191[0] : i32 from vector<1xi32>
      %multiple_of3A_193 = tpu.assume_multiple %squeeze3A_192, 128 : i32
      %dma_start3A_194 = arith.constant 11 : i32
      %dma_start3A_195 = arith.constant 0 : i32
      %dma_start3A_196 = arith.constant 0 : i32
      %dma_start3A_197 = tpu.memref_slice %arg6[%dma_start3A_194, %dma_start3A_195, %dma_start3A_196] : memref<16x32x128xf32, #tpu.memory_space<vmem>> -> memref<1x32x128xf32, #tpu.memory_space<vmem>>
      %dma_start3A_198 = tpu.memref_squeeze %dma_start3A_197 : memref<1x32x128xf32, #tpu.memory_space<vmem>> -> memref<32x128xf32, #tpu.memory_space<vmem>>
      %dma_start3A_199 = arith.constant 0 : i32
      %dma_start3A_200 = tpu.memref_slice %arg3[%dma_start3A_199, %multiple_of3A_193] : memref<32x1000000xf32, #tpu.memory_space<hbm>> -> memref<32x128xf32, #tpu.memory_space<hbm>>
      %dma_start3A_201 = arith.constant 0 : i32
      %dma_start3A_202 = arith.constant 0 : i32
      %dma_start3A_203 = tpu.memref_slice %arg6[%dma_start3A_194, %dma_start3A_201, %dma_start3A_202] : memref<16x32x128xf32, #tpu.memory_space<vmem>> -> memref<1x32x128xf32, #tpu.memory_space<vmem>>
      %dma_start3A_204 = tpu.memref_squeeze %dma_start3A_203 : memref<1x32x128xf32, #tpu.memory_space<vmem>> -> memref<32x128xf32, #tpu.memory_space<vmem>>
      %dma_start3A_205 = arith.constant 0 : i32
      %dma_start3A_206 = tpu.memref_slice %arg3[%dma_start3A_205, %multiple_of3A_193] : memref<32x1000000xf32, #tpu.memory_space<hbm>> -> memref<32x128xf32, #tpu.memory_space<hbm>>
      tpu.enqueue_dma source(%dma_start3A_206 : memref<32x128xf32, #tpu.memory_space<hbm>>) target(%dma_start3A_204 : memref<32x128xf32, #tpu.memory_space<vmem>>) target_semaphore(%arg8 : memref<!tpu.dma_semaphore, #tpu.memory_space<semaphore_mem>>)
      %slice3A_207 = vector.extract_strided_slice %and3A_18 {offsets = [12], sizes = [1], strides = [1]} : vector<16xi32> to vector<1xi32>
      %squeeze3A_208 = vector.extract %slice3A_207[0] : i32 from vector<1xi32>
      %multiple_of3A_209 = tpu.assume_multiple %squeeze3A_208, 128 : i32
      %dma_start3A_210 = arith.constant 12 : i32
      %dma_start3A_211 = arith.constant 0 : i32
      %dma_start3A_212 = arith.constant 0 : i32
      %dma_start3A_213 = tpu.memref_slice %arg6[%dma_start3A_210, %dma_start3A_211, %dma_start3A_212] : memref<16x32x128xf32, #tpu.memory_space<vmem>> -> memref<1x32x128xf32, #tpu.memory_space<vmem>>
      %dma_start3A_214 = tpu.memref_squeeze %dma_start3A_213 : memref<1x32x128xf32, #tpu.memory_space<vmem>> -> memref<32x128xf32, #tpu.memory_space<vmem>>
      %dma_start3A_215 = arith.constant 0 : i32
      %dma_start3A_216 = tpu.memref_slice %arg3[%dma_start3A_215, %multiple_of3A_209] : memref<32x1000000xf32, #tpu.memory_space<hbm>> -> memref<32x128xf32, #tpu.memory_space<hbm>>
      %dma_start3A_217 = arith.constant 0 : i32
      %dma_start3A_218 = arith.constant 0 : i32
      %dma_start3A_219 = tpu.memref_slice %arg6[%dma_start3A_210, %dma_start3A_217, %dma_start3A_218] : memref<16x32x128xf32, #tpu.memory_space<vmem>> -> memref<1x32x128xf32, #tpu.memory_space<vmem>>
      %dma_start3A_220 = tpu.memref_squeeze %dma_start3A_219 : memref<1x32x128xf32, #tpu.memory_space<vmem>> -> memref<32x128xf32, #tpu.memory_space<vmem>>
      %dma_start3A_221 = arith.constant 0 : i32
      %dma_start3A_222 = tpu.memref_slice %arg3[%dma_start3A_221, %multiple_of3A_209] : memref<32x1000000xf32, #tpu.memory_space<hbm>> -> memref<32x128xf32, #tpu.memory_space<hbm>>
      tpu.enqueue_dma source(%dma_start3A_222 : memref<32x128xf32, #tpu.memory_space<hbm>>) target(%dma_start3A_220 : memref<32x128xf32, #tpu.memory_space<vmem>>) target_semaphore(%arg8 : memref<!tpu.dma_semaphore, #tpu.memory_space<semaphore_mem>>)
      %slice3A_223 = vector.extract_strided_slice %and3A_18 {offsets = [13], sizes = [1], strides = [1]} : vector<16xi32> to vector<1xi32>
      %squeeze3A_224 = vector.extract %slice3A_223[0] : i32 from vector<1xi32>
      %multiple_of3A_225 = tpu.assume_multiple %squeeze3A_224, 128 : i32
      %dma_start3A_226 = arith.constant 13 : i32
      %dma_start3A_227 = arith.constant 0 : i32
      %dma_start3A_228 = arith.constant 0 : i32
      %dma_start3A_229 = tpu.memref_slice %arg6[%dma_start3A_226, %dma_start3A_227, %dma_start3A_228] : memref<16x32x128xf32, #tpu.memory_space<vmem>> -> memref<1x32x128xf32, #tpu.memory_space<vmem>>
      %dma_start3A_230 = tpu.memref_squeeze %dma_start3A_229 : memref<1x32x128xf32, #tpu.memory_space<vmem>> -> memref<32x128xf32, #tpu.memory_space<vmem>>
      %dma_start3A_231 = arith.constant 0 : i32
      %dma_start3A_232 = tpu.memref_slice %arg3[%dma_start3A_231, %multiple_of3A_225] : memref<32x1000000xf32, #tpu.memory_space<hbm>> -> memref<32x128xf32, #tpu.memory_space<hbm>>
      %dma_start3A_233 = arith.constant 0 : i32
      %dma_start3A_234 = arith.constant 0 : i32
      %dma_start3A_235 = tpu.memref_slice %arg6[%dma_start3A_226, %dma_start3A_233, %dma_start3A_234] : memref<16x32x128xf32, #tpu.memory_space<vmem>> -> memref<1x32x128xf32, #tpu.memory_space<vmem>>
      %dma_start3A_236 = tpu.memref_squeeze %dma_start3A_235 : memref<1x32x128xf32, #tpu.memory_space<vmem>> -> memref<32x128xf32, #tpu.memory_space<vmem>>
      %dma_start3A_237 = arith.constant 0 : i32
      %dma_start3A_238 = tpu.memref_slice %arg3[%dma_start3A_237, %multiple_of3A_225] : memref<32x1000000xf32, #tpu.memory_space<hbm>> -> memref<32x128xf32, #tpu.memory_space<hbm>>
      tpu.enqueue_dma source(%dma_start3A_238 : memref<32x128xf32, #tpu.memory_space<hbm>>) target(%dma_start3A_236 : memref<32x128xf32, #tpu.memory_space<vmem>>) target_semaphore(%arg8 : memref<!tpu.dma_semaphore, #tpu.memory_space<semaphore_mem>>)
      %slice3A_239 = vector.extract_strided_slice %and3A_18 {offsets = [14], sizes = [1], strides = [1]} : vector<16xi32> to vector<1xi32>
      %squeeze3A_240 = vector.extract %slice3A_239[0] : i32 from vector<1xi32>
      %multiple_of3A_241 = tpu.assume_multiple %squeeze3A_240, 128 : i32
      %dma_start3A_242 = arith.constant 14 : i32
      %dma_start3A_243 = arith.constant 0 : i32
      %dma_start3A_244 = arith.constant 0 : i32
      %dma_start3A_245 = tpu.memref_slice %arg6[%dma_start3A_242, %dma_start3A_243, %dma_start3A_244] : memref<16x32x128xf32, #tpu.memory_space<vmem>> -> memref<1x32x128xf32, #tpu.memory_space<vmem>>
      %dma_start3A_246 = tpu.memref_squeeze %dma_start3A_245 : memref<1x32x128xf32, #tpu.memory_space<vmem>> -> memref<32x128xf32, #tpu.memory_space<vmem>>
      %dma_start3A_247 = arith.constant 0 : i32
      %dma_start3A_248 = tpu.memref_slice %arg3[%dma_start3A_247, %multiple_of3A_241] : memref<32x1000000xf32, #tpu.memory_space<hbm>> -> memref<32x128xf32, #tpu.memory_space<hbm>>
      %dma_start3A_249 = arith.constant 0 : i32
      %dma_start3A_250 = arith.constant 0 : i32
      %dma_start3A_251 = tpu.memref_slice %arg6[%dma_start3A_242, %dma_start3A_249, %dma_start3A_250] : memref<16x32x128xf32, #tpu.memory_space<vmem>> -> memref<1x32x128xf32, #tpu.memory_space<vmem>>
      %dma_start3A_252 = tpu.memref_squeeze %dma_start3A_251 : memref<1x32x128xf32, #tpu.memory_space<vmem>> -> memref<32x128xf32, #tpu.memory_space<vmem>>
      %dma_start3A_253 = arith.constant 0 : i32
      %dma_start3A_254 = tpu.memref_slice %arg3[%dma_start3A_253, %multiple_of3A_241] : memref<32x1000000xf32, #tpu.memory_space<hbm>> -> memref<32x128xf32, #tpu.memory_space<hbm>>
      tpu.enqueue_dma source(%dma_start3A_254 : memref<32x128xf32, #tpu.memory_space<hbm>>) target(%dma_start3A_252 : memref<32x128xf32, #tpu.memory_space<vmem>>) target_semaphore(%arg8 : memref<!tpu.dma_semaphore, #tpu.memory_space<semaphore_mem>>)
      %slice3A_255 = vector.extract_strided_slice %and3A_18 {offsets = [15], sizes = [1], strides = [1]} : vector<16xi32> to vector<1xi32>
      %squeeze3A_256 = vector.extract %slice3A_255[0] : i32 from vector<1xi32>
      %multiple_of3A_257 = tpu.assume_multiple %squeeze3A_256, 128 : i32
      %dma_start3A_258 = arith.constant 15 : i32
      %dma_start3A_259 = arith.constant 0 : i32
      %dma_start3A_260 = arith.constant 0 : i32
      %dma_start3A_261 = tpu.memref_slice %arg6[%dma_start3A_258, %dma_start3A_259, %dma_start3A_260] : memref<16x32x128xf32, #tpu.memory_space<vmem>> -> memref<1x32x128xf32, #tpu.memory_space<vmem>>
      %dma_start3A_262 = tpu.memref_squeeze %dma_start3A_261 : memref<1x32x128xf32, #tpu.memory_space<vmem>> -> memref<32x128xf32, #tpu.memory_space<vmem>>
      %dma_start3A_263 = arith.constant 0 : i32
      %dma_start3A_264 = tpu.memref_slice %arg3[%dma_start3A_263, %multiple_of3A_257] : memref<32x1000000xf32, #tpu.memory_space<hbm>> -> memref<32x128xf32, #tpu.memory_space<hbm>>
      %dma_start3A_265 = arith.constant 0 : i32
      %dma_start3A_266 = arith.constant 0 : i32
      %dma_start3A_267 = tpu.memref_slice %arg6[%dma_start3A_258, %dma_start3A_265, %dma_start3A_266] : memref<16x32x128xf32, #tpu.memory_space<vmem>> -> memref<1x32x128xf32, #tpu.memory_space<vmem>>
      %dma_start3A_268 = tpu.memref_squeeze %dma_start3A_267 : memref<1x32x128xf32, #tpu.memory_space<vmem>> -> memref<32x128xf32, #tpu.memory_space<vmem>>
      %dma_start3A_269 = arith.constant 0 : i32
      %dma_start3A_270 = tpu.memref_slice %arg3[%dma_start3A_269, %multiple_of3A_257] : memref<32x1000000xf32, #tpu.memory_space<hbm>> -> memref<32x128xf32, #tpu.memory_space<hbm>>
      tpu.enqueue_dma source(%dma_start3A_270 : memref<32x128xf32, #tpu.memory_space<hbm>>) target(%dma_start3A_268 : memref<32x128xf32, #tpu.memory_space<vmem>>) target_semaphore(%arg8 : memref<!tpu.dma_semaphore, #tpu.memory_space<semaphore_mem>>)
      %dma_wait3A = arith.constant 0 : i32
      %dma_wait3A_271 = arith.constant 0 : i32
      %dma_wait3A_272 = arith.constant 0 : i32
      %dma_wait3A_273 = tpu.memref_slice %arg6[%dma_wait3A, %dma_wait3A_271, %dma_wait3A_272] : memref<16x32x128xf32, #tpu.memory_space<vmem>> -> memref<1x32x128xf32, #tpu.memory_space<vmem>>
      %dma_wait3A_274 = tpu.memref_squeeze %dma_wait3A_273 : memref<1x32x128xf32, #tpu.memory_space<vmem>> -> memref<32x128xf32, #tpu.memory_space<vmem>>
      %dma_wait3A_275 = arith.constant 0 : i32
      %dma_wait3A_276 = arith.constant 0 : i32
      %dma_wait3A_277 = tpu.memref_slice %arg3[%dma_wait3A_275, %dma_wait3A_276] : memref<32x1000000xf32, #tpu.memory_space<hbm>> -> memref<32x128xf32, #tpu.memory_space<hbm>>
      %dma_wait3A_278 = arith.constant 0 : i32
      %dma_wait3A_279 = arith.constant 0 : i32
      %dma_wait3A_280 = tpu.memref_slice %arg6[%dma_wait3A, %dma_wait3A_278, %dma_wait3A_279] : memref<16x32x128xf32, #tpu.memory_space<vmem>> -> memref<1x32x128xf32, #tpu.memory_space<vmem>>
      %dma_wait3A_281 = tpu.memref_squeeze %dma_wait3A_280 : memref<1x32x128xf32, #tpu.memory_space<vmem>> -> memref<32x128xf32, #tpu.memory_space<vmem>>
      %dma_wait3A_282 = arith.constant 0 : i32
      %dma_wait3A_283 = arith.constant 0 : i32
      %dma_wait3A_284 = tpu.memref_slice %arg3[%dma_wait3A_282, %dma_wait3A_283] : memref<32x1000000xf32, #tpu.memory_space<hbm>> -> memref<32x128xf32, #tpu.memory_space<hbm>>
      tpu.wait_dma2 semaphore(%arg8 : memref<!tpu.dma_semaphore, #tpu.memory_space<semaphore_mem>>) src(%dma_wait3A_284 : memref<32x128xf32, #tpu.memory_space<hbm>>) dst(%dma_wait3A_281 : memref<32x128xf32, #tpu.memory_space<vmem>>)
      %dma_wait3A_285 = arith.constant 1 : i32
      %dma_wait3A_286 = arith.constant 0 : i32
      %dma_wait3A_287 = arith.constant 0 : i32
      %dma_wait3A_288 = tpu.memref_slice %arg6[%dma_wait3A_285, %dma_wait3A_286, %dma_wait3A_287] : memref<16x32x128xf32, #tpu.memory_space<vmem>> -> memref<1x32x128xf32, #tpu.memory_space<vmem>>
      %dma_wait3A_289 = tpu.memref_squeeze %dma_wait3A_288 : memref<1x32x128xf32, #tpu.memory_space<vmem>> -> memref<32x128xf32, #tpu.memory_space<vmem>>
      %dma_wait3A_290 = arith.constant 0 : i32
      %dma_wait3A_291 = arith.constant 0 : i32
      %dma_wait3A_292 = tpu.memref_slice %arg3[%dma_wait3A_290, %dma_wait3A_291] : memref<32x1000000xf32, #tpu.memory_space<hbm>> -> memref<32x128xf32, #tpu.memory_space<hbm>>
      %dma_wait3A_293 = arith.constant 0 : i32
      %dma_wait3A_294 = arith.constant 0 : i32
      %dma_wait3A_295 = tpu.memref_slice %arg6[%dma_wait3A_285, %dma_wait3A_293, %dma_wait3A_294] : memref<16x32x128xf32, #tpu.memory_space<vmem>> -> memref<1x32x128xf32, #tpu.memory_space<vmem>>
      %dma_wait3A_296 = tpu.memref_squeeze %dma_wait3A_295 : memref<1x32x128xf32, #tpu.memory_space<vmem>> -> memref<32x128xf32, #tpu.memory_space<vmem>>
      %dma_wait3A_297 = arith.constant 0 : i32
      %dma_wait3A_298 = arith.constant 0 : i32
      %dma_wait3A_299 = tpu.memref_slice %arg3[%dma_wait3A_297, %dma_wait3A_298] : memref<32x1000000xf32, #tpu.memory_space<hbm>> -> memref<32x128xf32, #tpu.memory_space<hbm>>
      tpu.wait_dma2 semaphore(%arg8 : memref<!tpu.dma_semaphore, #tpu.memory_space<semaphore_mem>>) src(%dma_wait3A_299 : memref<32x128xf32, #tpu.memory_space<hbm>>) dst(%dma_wait3A_296 : memref<32x128xf32, #tpu.memory_space<vmem>>)
      %dma_wait3A_300 = arith.constant 2 : i32
      %dma_wait3A_301 = arith.constant 0 : i32
      %dma_wait3A_302 = arith.constant 0 : i32
      %dma_wait3A_303 = tpu.memref_slice %arg6[%dma_wait3A_300, %dma_wait3A_301, %dma_wait3A_302] : memref<16x32x128xf32, #tpu.memory_space<vmem>> -> memref<1x32x128xf32, #tpu.memory_space<vmem>>
      %dma_wait3A_304 = tpu.memref_squeeze %dma_wait3A_303 : memref<1x32x128xf32, #tpu.memory_space<vmem>> -> memref<32x128xf32, #tpu.memory_space<vmem>>
      %dma_wait3A_305 = arith.constant 0 : i32
      %dma_wait3A_306 = arith.constant 0 : i32
      %dma_wait3A_307 = tpu.memref_slice %arg3[%dma_wait3A_305, %dma_wait3A_306] : memref<32x1000000xf32, #tpu.memory_space<hbm>> -> memref<32x128xf32, #tpu.memory_space<hbm>>
      %dma_wait3A_308 = arith.constant 0 : i32
      %dma_wait3A_309 = arith.constant 0 : i32
      %dma_wait3A_310 = tpu.memref_slice %arg6[%dma_wait3A_300, %dma_wait3A_308, %dma_wait3A_309] : memref<16x32x128xf32, #tpu.memory_space<vmem>> -> memref<1x32x128xf32, #tpu.memory_space<vmem>>
      %dma_wait3A_311 = tpu.memref_squeeze %dma_wait3A_310 : memref<1x32x128xf32, #tpu.memory_space<vmem>> -> memref<32x128xf32, #tpu.memory_space<vmem>>
      %dma_wait3A_312 = arith.constant 0 : i32
      %dma_wait3A_313 = arith.constant 0 : i32
      %dma_wait3A_314 = tpu.memref_slice %arg3[%dma_wait3A_312, %dma_wait3A_313] : memref<32x1000000xf32, #tpu.memory_space<hbm>> -> memref<32x128xf32, #tpu.memory_space<hbm>>
      tpu.wait_dma2 semaphore(%arg8 : memref<!tpu.dma_semaphore, #tpu.memory_space<semaphore_mem>>) src(%dma_wait3A_314 : memref<32x128xf32, #tpu.memory_space<hbm>>) dst(%dma_wait3A_311 : memref<32x128xf32, #tpu.memory_space<vmem>>)
      %dma_wait3A_315 = arith.constant 3 : i32
      %dma_wait3A_316 = arith.constant 0 : i32
      %dma_wait3A_317 = arith.constant 0 : i32
      %dma_wait3A_318 = tpu.memref_slice %arg6[%dma_wait3A_315, %dma_wait3A_316, %dma_wait3A_317] : memref<16x32x128xf32, #tpu.memory_space<vmem>> -> memref<1x32x128xf32, #tpu.memory_space<vmem>>
      %dma_wait3A_319 = tpu.memref_squeeze %dma_wait3A_318 : memref<1x32x128xf32, #tpu.memory_space<vmem>> -> memref<32x128xf32, #tpu.memory_space<vmem>>
      %dma_wait3A_320 = arith.constant 0 : i32
      %dma_wait3A_321 = arith.constant 0 : i32
      %dma_wait3A_322 = tpu.memref_slice %arg3[%dma_wait3A_320, %dma_wait3A_321] : memref<32x1000000xf32, #tpu.memory_space<hbm>> -> memref<32x128xf32, #tpu.memory_space<hbm>>
      %dma_wait3A_323 = arith.constant 0 : i32
      %dma_wait3A_324 = arith.constant 0 : i32
      %dma_wait3A_325 = tpu.memref_slice %arg6[%dma_wait3A_315, %dma_wait3A_323, %dma_wait3A_324] : memref<16x32x128xf32, #tpu.memory_space<vmem>> -> memref<1x32x128xf32, #tpu.memory_space<vmem>>
      %dma_wait3A_326 = tpu.memref_squeeze %dma_wait3A_325 : memref<1x32x128xf32, #tpu.memory_space<vmem>> -> memref<32x128xf32, #tpu.memory_space<vmem>>
      %dma_wait3A_327 = arith.constant 0 : i32
      %dma_wait3A_328 = arith.constant 0 : i32
      %dma_wait3A_329 = tpu.memref_slice %arg3[%dma_wait3A_327, %dma_wait3A_328] : memref<32x1000000xf32, #tpu.memory_space<hbm>> -> memref<32x128xf32, #tpu.memory_space<hbm>>
      tpu.wait_dma2 semaphore(%arg8 : memref<!tpu.dma_semaphore, #tpu.memory_space<semaphore_mem>>) src(%dma_wait3A_329 : memref<32x128xf32, #tpu.memory_space<hbm>>) dst(%dma_wait3A_326 : memref<32x128xf32, #tpu.memory_space<vmem>>)
      %dma_wait3A_330 = arith.constant 4 : i32
      %dma_wait3A_331 = arith.constant 0 : i32
      %dma_wait3A_332 = arith.constant 0 : i32
      %dma_wait3A_333 = tpu.memref_slice %arg6[%dma_wait3A_330, %dma_wait3A_331, %dma_wait3A_332] : memref<16x32x128xf32, #tpu.memory_space<vmem>> -> memref<1x32x128xf32, #tpu.memory_space<vmem>>
      %dma_wait3A_334 = tpu.memref_squeeze %dma_wait3A_333 : memref<1x32x128xf32, #tpu.memory_space<vmem>> -> memref<32x128xf32, #tpu.memory_space<vmem>>
      %dma_wait3A_335 = arith.constant 0 : i32
      %dma_wait3A_336 = arith.constant 0 : i32
      %dma_wait3A_337 = tpu.memref_slice %arg3[%dma_wait3A_335, %dma_wait3A_336] : memref<32x1000000xf32, #tpu.memory_space<hbm>> -> memref<32x128xf32, #tpu.memory_space<hbm>>
      %dma_wait3A_338 = arith.constant 0 : i32
      %dma_wait3A_339 = arith.constant 0 : i32
      %dma_wait3A_340 = tpu.memref_slice %arg6[%dma_wait3A_330, %dma_wait3A_338, %dma_wait3A_339] : memref<16x32x128xf32, #tpu.memory_space<vmem>> -> memref<1x32x128xf32, #tpu.memory_space<vmem>>
      %dma_wait3A_341 = tpu.memref_squeeze %dma_wait3A_340 : memref<1x32x128xf32, #tpu.memory_space<vmem>> -> memref<32x128xf32, #tpu.memory_space<vmem>>
      %dma_wait3A_342 = arith.constant 0 : i32
      %dma_wait3A_343 = arith.constant 0 : i32
      %dma_wait3A_344 = tpu.memref_slice %arg3[%dma_wait3A_342, %dma_wait3A_343] : memref<32x1000000xf32, #tpu.memory_space<hbm>> -> memref<32x128xf32, #tpu.memory_space<hbm>>
      tpu.wait_dma2 semaphore(%arg8 : memref<!tpu.dma_semaphore, #tpu.memory_space<semaphore_mem>>) src(%dma_wait3A_344 : memref<32x128xf32, #tpu.memory_space<hbm>>) dst(%dma_wait3A_341 : memref<32x128xf32, #tpu.memory_space<vmem>>)
      %dma_wait3A_345 = arith.constant 5 : i32
      %dma_wait3A_346 = arith.constant 0 : i32
      %dma_wait3A_347 = arith.constant 0 : i32
      %dma_wait3A_348 = tpu.memref_slice %arg6[%dma_wait3A_345, %dma_wait3A_346, %dma_wait3A_347] : memref<16x32x128xf32, #tpu.memory_space<vmem>> -> memref<1x32x128xf32, #tpu.memory_space<vmem>>
      %dma_wait3A_349 = tpu.memref_squeeze %dma_wait3A_348 : memref<1x32x128xf32, #tpu.memory_space<vmem>> -> memref<32x128xf32, #tpu.memory_space<vmem>>
      %dma_wait3A_350 = arith.constant 0 : i32
      %dma_wait3A_351 = arith.constant 0 : i32
      %dma_wait3A_352 = tpu.memref_slice %arg3[%dma_wait3A_350, %dma_wait3A_351] : memref<32x1000000xf32, #tpu.memory_space<hbm>> -> memref<32x128xf32, #tpu.memory_space<hbm>>
      %dma_wait3A_353 = arith.constant 0 : i32
      %dma_wait3A_354 = arith.constant 0 : i32
      %dma_wait3A_355 = tpu.memref_slice %arg6[%dma_wait3A_345, %dma_wait3A_353, %dma_wait3A_354] : memref<16x32x128xf32, #tpu.memory_space<vmem>> -> memref<1x32x128xf32, #tpu.memory_space<vmem>>
      %dma_wait3A_356 = tpu.memref_squeeze %dma_wait3A_355 : memref<1x32x128xf32, #tpu.memory_space<vmem>> -> memref<32x128xf32, #tpu.memory_space<vmem>>
      %dma_wait3A_357 = arith.constant 0 : i32
      %dma_wait3A_358 = arith.constant 0 : i32
      %dma_wait3A_359 = tpu.memref_slice %arg3[%dma_wait3A_357, %dma_wait3A_358] : memref<32x1000000xf32, #tpu.memory_space<hbm>> -> memref<32x128xf32, #tpu.memory_space<hbm>>
      tpu.wait_dma2 semaphore(%arg8 : memref<!tpu.dma_semaphore, #tpu.memory_space<semaphore_mem>>) src(%dma_wait3A_359 : memref<32x128xf32, #tpu.memory_space<hbm>>) dst(%dma_wait3A_356 : memref<32x128xf32, #tpu.memory_space<vmem>>)
      %dma_wait3A_360 = arith.constant 6 : i32
      %dma_wait3A_361 = arith.constant 0 : i32
      %dma_wait3A_362 = arith.constant 0 : i32
      %dma_wait3A_363 = tpu.memref_slice %arg6[%dma_wait3A_360, %dma_wait3A_361, %dma_wait3A_362] : memref<16x32x128xf32, #tpu.memory_space<vmem>> -> memref<1x32x128xf32, #tpu.memory_space<vmem>>
      %dma_wait3A_364 = tpu.memref_squeeze %dma_wait3A_363 : memref<1x32x128xf32, #tpu.memory_space<vmem>> -> memref<32x128xf32, #tpu.memory_space<vmem>>
      %dma_wait3A_365 = arith.constant 0 : i32
      %dma_wait3A_366 = arith.constant 0 : i32
      %dma_wait3A_367 = tpu.memref_slice %arg3[%dma_wait3A_365, %dma_wait3A_366] : memref<32x1000000xf32, #tpu.memory_space<hbm>> -> memref<32x128xf32, #tpu.memory_space<hbm>>
      %dma_wait3A_368 = arith.constant 0 : i32
      %dma_wait3A_369 = arith.constant 0 : i32
      %dma_wait3A_370 = tpu.memref_slice %arg6[%dma_wait3A_360, %dma_wait3A_368, %dma_wait3A_369] : memref<16x32x128xf32, #tpu.memory_space<vmem>> -> memref<1x32x128xf32, #tpu.memory_space<vmem>>
      %dma_wait3A_371 = tpu.memref_squeeze %dma_wait3A_370 : memref<1x32x128xf32, #tpu.memory_space<vmem>> -> memref<32x128xf32, #tpu.memory_space<vmem>>
      %dma_wait3A_372 = arith.constant 0 : i32
      %dma_wait3A_373 = arith.constant 0 : i32
      %dma_wait3A_374 = tpu.memref_slice %arg3[%dma_wait3A_372, %dma_wait3A_373] : memref<32x1000000xf32, #tpu.memory_space<hbm>> -> memref<32x128xf32, #tpu.memory_space<hbm>>
      tpu.wait_dma2 semaphore(%arg8 : memref<!tpu.dma_semaphore, #tpu.memory_space<semaphore_mem>>) src(%dma_wait3A_374 : memref<32x128xf32, #tpu.memory_space<hbm>>) dst(%dma_wait3A_371 : memref<32x128xf32, #tpu.memory_space<vmem>>)
      %dma_wait3A_375 = arith.constant 7 : i32
      %dma_wait3A_376 = arith.constant 0 : i32
      %dma_wait3A_377 = arith.constant 0 : i32
      %dma_wait3A_378 = tpu.memref_slice %arg6[%dma_wait3A_375, %dma_wait3A_376, %dma_wait3A_377] : memref<16x32x128xf32, #tpu.memory_space<vmem>> -> memref<1x32x128xf32, #tpu.memory_space<vmem>>
      %dma_wait3A_379 = tpu.memref_squeeze %dma_wait3A_378 : memref<1x32x128xf32, #tpu.memory_space<vmem>> -> memref<32x128xf32, #tpu.memory_space<vmem>>
      %dma_wait3A_380 = arith.constant 0 : i32
      %dma_wait3A_381 = arith.constant 0 : i32
      %dma_wait3A_382 = tpu.memref_slice %arg3[%dma_wait3A_380, %dma_wait3A_381] : memref<32x1000000xf32, #tpu.memory_space<hbm>> -> memref<32x128xf32, #tpu.memory_space<hbm>>
      %dma_wait3A_383 = arith.constant 0 : i32
      %dma_wait3A_384 = arith.constant 0 : i32
      %dma_wait3A_385 = tpu.memref_slice %arg6[%dma_wait3A_375, %dma_wait3A_383, %dma_wait3A_384] : memref<16x32x128xf32, #tpu.memory_space<vmem>> -> memref<1x32x128xf32, #tpu.memory_space<vmem>>
      %dma_wait3A_386 = tpu.memref_squeeze %dma_wait3A_385 : memref<1x32x128xf32, #tpu.memory_space<vmem>> -> memref<32x128xf32, #tpu.memory_space<vmem>>
      %dma_wait3A_387 = arith.constant 0 : i32
      %dma_wait3A_388 = arith.constant 0 : i32
      %dma_wait3A_389 = tpu.memref_slice %arg3[%dma_wait3A_387, %dma_wait3A_388] : memref<32x1000000xf32, #tpu.memory_space<hbm>> -> memref<32x128xf32, #tpu.memory_space<hbm>>
      tpu.wait_dma2 semaphore(%arg8 : memref<!tpu.dma_semaphore, #tpu.memory_space<semaphore_mem>>) src(%dma_wait3A_389 : memref<32x128xf32, #tpu.memory_space<hbm>>) dst(%dma_wait3A_386 : memref<32x128xf32, #tpu.memory_space<vmem>>)
      %dma_wait3A_390 = arith.constant 8 : i32
      %dma_wait3A_391 = arith.constant 0 : i32
      %dma_wait3A_392 = arith.constant 0 : i32
      %dma_wait3A_393 = tpu.memref_slice %arg6[%dma_wait3A_390, %dma_wait3A_391, %dma_wait3A_392] : memref<16x32x128xf32, #tpu.memory_space<vmem>> -> memref<1x32x128xf32, #tpu.memory_space<vmem>>
      %dma_wait3A_394 = tpu.memref_squeeze %dma_wait3A_393 : memref<1x32x128xf32, #tpu.memory_space<vmem>> -> memref<32x128xf32, #tpu.memory_space<vmem>>
      %dma_wait3A_395 = arith.constant 0 : i32
      %dma_wait3A_396 = arith.constant 0 : i32
      %dma_wait3A_397 = tpu.memref_slice %arg3[%dma_wait3A_395, %dma_wait3A_396] : memref<32x1000000xf32, #tpu.memory_space<hbm>> -> memref<32x128xf32, #tpu.memory_space<hbm>>
      %dma_wait3A_398 = arith.constant 0 : i32
      %dma_wait3A_399 = arith.constant 0 : i32
      %dma_wait3A_400 = tpu.memref_slice %arg6[%dma_wait3A_390, %dma_wait3A_398, %dma_wait3A_399] : memref<16x32x128xf32, #tpu.memory_space<vmem>> -> memref<1x32x128xf32, #tpu.memory_space<vmem>>
      %dma_wait3A_401 = tpu.memref_squeeze %dma_wait3A_400 : memref<1x32x128xf32, #tpu.memory_space<vmem>> -> memref<32x128xf32, #tpu.memory_space<vmem>>
      %dma_wait3A_402 = arith.constant 0 : i32
      %dma_wait3A_403 = arith.constant 0 : i32
      %dma_wait3A_404 = tpu.memref_slice %arg3[%dma_wait3A_402, %dma_wait3A_403] : memref<32x1000000xf32, #tpu.memory_space<hbm>> -> memref<32x128xf32, #tpu.memory_space<hbm>>
      tpu.wait_dma2 semaphore(%arg8 : memref<!tpu.dma_semaphore, #tpu.memory_space<semaphore_mem>>) src(%dma_wait3A_404 : memref<32x128xf32, #tpu.memory_space<hbm>>) dst(%dma_wait3A_401 : memref<32x128xf32, #tpu.memory_space<vmem>>)
      %dma_wait3A_405 = arith.constant 9 : i32
      %dma_wait3A_406 = arith.constant 0 : i32
      %dma_wait3A_407 = arith.constant 0 : i32
      %dma_wait3A_408 = tpu.memref_slice %arg6[%dma_wait3A_405, %dma_wait3A_406, %dma_wait3A_407] : memref<16x32x128xf32, #tpu.memory_space<vmem>> -> memref<1x32x128xf32, #tpu.memory_space<vmem>>
      %dma_wait3A_409 = tpu.memref_squeeze %dma_wait3A_408 : memref<1x32x128xf32, #tpu.memory_space<vmem>> -> memref<32x128xf32, #tpu.memory_space<vmem>>
      %dma_wait3A_410 = arith.constant 0 : i32
      %dma_wait3A_411 = arith.constant 0 : i32
      %dma_wait3A_412 = tpu.memref_slice %arg3[%dma_wait3A_410, %dma_wait3A_411] : memref<32x1000000xf32, #tpu.memory_space<hbm>> -> memref<32x128xf32, #tpu.memory_space<hbm>>
      %dma_wait3A_413 = arith.constant 0 : i32
      %dma_wait3A_414 = arith.constant 0 : i32
      %dma_wait3A_415 = tpu.memref_slice %arg6[%dma_wait3A_405, %dma_wait3A_413, %dma_wait3A_414] : memref<16x32x128xf32, #tpu.memory_space<vmem>> -> memref<1x32x128xf32, #tpu.memory_space<vmem>>
      %dma_wait3A_416 = tpu.memref_squeeze %dma_wait3A_415 : memref<1x32x128xf32, #tpu.memory_space<vmem>> -> memref<32x128xf32, #tpu.memory_space<vmem>>
      %dma_wait3A_417 = arith.constant 0 : i32
      %dma_wait3A_418 = arith.constant 0 : i32
      %dma_wait3A_419 = tpu.memref_slice %arg3[%dma_wait3A_417, %dma_wait3A_418] : memref<32x1000000xf32, #tpu.memory_space<hbm>> -> memref<32x128xf32, #tpu.memory_space<hbm>>
      tpu.wait_dma2 semaphore(%arg8 : memref<!tpu.dma_semaphore, #tpu.memory_space<semaphore_mem>>) src(%dma_wait3A_419 : memref<32x128xf32, #tpu.memory_space<hbm>>) dst(%dma_wait3A_416 : memref<32x128xf32, #tpu.memory_space<vmem>>)
      %dma_wait3A_420 = arith.constant 10 : i32
      %dma_wait3A_421 = arith.constant 0 : i32
      %dma_wait3A_422 = arith.constant 0 : i32
      %dma_wait3A_423 = tpu.memref_slice %arg6[%dma_wait3A_420, %dma_wait3A_421, %dma_wait3A_422] : memref<16x32x128xf32, #tpu.memory_space<vmem>> -> memref<1x32x128xf32, #tpu.memory_space<vmem>>
      %dma_wait3A_424 = tpu.memref_squeeze %dma_wait3A_423 : memref<1x32x128xf32, #tpu.memory_space<vmem>> -> memref<32x128xf32, #tpu.memory_space<vmem>>
      %dma_wait3A_425 = arith.constant 0 : i32
      %dma_wait3A_426 = arith.constant 0 : i32
      %dma_wait3A_427 = tpu.memref_slice %arg3[%dma_wait3A_425, %dma_wait3A_426] : memref<32x1000000xf32, #tpu.memory_space<hbm>> -> memref<32x128xf32, #tpu.memory_space<hbm>>
      %dma_wait3A_428 = arith.constant 0 : i32
      %dma_wait3A_429 = arith.constant 0 : i32
      %dma_wait3A_430 = tpu.memref_slice %arg6[%dma_wait3A_420, %dma_wait3A_428, %dma_wait3A_429] : memref<16x32x128xf32, #tpu.memory_space<vmem>> -> memref<1x32x128xf32, #tpu.memory_space<vmem>>
      %dma_wait3A_431 = tpu.memref_squeeze %dma_wait3A_430 : memref<1x32x128xf32, #tpu.memory_space<vmem>> -> memref<32x128xf32, #tpu.memory_space<vmem>>
      %dma_wait3A_432 = arith.constant 0 : i32
      %dma_wait3A_433 = arith.constant 0 : i32
      %dma_wait3A_434 = tpu.memref_slice %arg3[%dma_wait3A_432, %dma_wait3A_433] : memref<32x1000000xf32, #tpu.memory_space<hbm>> -> memref<32x128xf32, #tpu.memory_space<hbm>>
      tpu.wait_dma2 semaphore(%arg8 : memref<!tpu.dma_semaphore, #tpu.memory_space<semaphore_mem>>) src(%dma_wait3A_434 : memref<32x128xf32, #tpu.memory_space<hbm>>) dst(%dma_wait3A_431 : memref<32x128xf32, #tpu.memory_space<vmem>>)
      %dma_wait3A_435 = arith.constant 11 : i32
      %dma_wait3A_436 = arith.constant 0 : i32
      %dma_wait3A_437 = arith.constant 0 : i32
      %dma_wait3A_438 = tpu.memref_slice %arg6[%dma_wait3A_435, %dma_wait3A_436, %dma_wait3A_437] : memref<16x32x128xf32, #tpu.memory_space<vmem>> -> memref<1x32x128xf32, #tpu.memory_space<vmem>>
      %dma_wait3A_439 = tpu.memref_squeeze %dma_wait3A_438 : memref<1x32x128xf32, #tpu.memory_space<vmem>> -> memref<32x128xf32, #tpu.memory_space<vmem>>
      %dma_wait3A_440 = arith.constant 0 : i32
      %dma_wait3A_441 = arith.constant 0 : i32
      %dma_wait3A_442 = tpu.memref_slice %arg3[%dma_wait3A_440, %dma_wait3A_441] : memref<32x1000000xf32, #tpu.memory_space<hbm>> -> memref<32x128xf32, #tpu.memory_space<hbm>>
      %dma_wait3A_443 = arith.constant 0 : i32
      %dma_wait3A_444 = arith.constant 0 : i32
      %dma_wait3A_445 = tpu.memref_slice %arg6[%dma_wait3A_435, %dma_wait3A_443, %dma_wait3A_444] : memref<16x32x128xf32, #tpu.memory_space<vmem>> -> memref<1x32x128xf32, #tpu.memory_space<vmem>>
      %dma_wait3A_446 = tpu.memref_squeeze %dma_wait3A_445 : memref<1x32x128xf32, #tpu.memory_space<vmem>> -> memref<32x128xf32, #tpu.memory_space<vmem>>
      %dma_wait3A_447 = arith.constant 0 : i32
      %dma_wait3A_448 = arith.constant 0 : i32
      %dma_wait3A_449 = tpu.memref_slice %arg3[%dma_wait3A_447, %dma_wait3A_448] : memref<32x1000000xf32, #tpu.memory_space<hbm>> -> memref<32x128xf32, #tpu.memory_space<hbm>>
      tpu.wait_dma2 semaphore(%arg8 : memref<!tpu.dma_semaphore, #tpu.memory_space<semaphore_mem>>) src(%dma_wait3A_449 : memref<32x128xf32, #tpu.memory_space<hbm>>) dst(%dma_wait3A_446 : memref<32x128xf32, #tpu.memory_space<vmem>>)
      %dma_wait3A_450 = arith.constant 12 : i32
      %dma_wait3A_451 = arith.constant 0 : i32
      %dma_wait3A_452 = arith.constant 0 : i32
      %dma_wait3A_453 = tpu.memref_slice %arg6[%dma_wait3A_450, %dma_wait3A_451, %dma_wait3A_452] : memref<16x32x128xf32, #tpu.memory_space<vmem>> -> memref<1x32x128xf32, #tpu.memory_space<vmem>>
      %dma_wait3A_454 = tpu.memref_squeeze %dma_wait3A_453 : memref<1x32x128xf32, #tpu.memory_space<vmem>> -> memref<32x128xf32, #tpu.memory_space<vmem>>
      %dma_wait3A_455 = arith.constant 0 : i32
      %dma_wait3A_456 = arith.constant 0 : i32
      %dma_wait3A_457 = tpu.memref_slice %arg3[%dma_wait3A_455, %dma_wait3A_456] : memref<32x1000000xf32, #tpu.memory_space<hbm>> -> memref<32x128xf32, #tpu.memory_space<hbm>>
      %dma_wait3A_458 = arith.constant 0 : i32
      %dma_wait3A_459 = arith.constant 0 : i32
      %dma_wait3A_460 = tpu.memref_slice %arg6[%dma_wait3A_450, %dma_wait3A_458, %dma_wait3A_459] : memref<16x32x128xf32, #tpu.memory_space<vmem>> -> memref<1x32x128xf32, #tpu.memory_space<vmem>>
      %dma_wait3A_461 = tpu.memref_squeeze %dma_wait3A_460 : memref<1x32x128xf32, #tpu.memory_space<vmem>> -> memref<32x128xf32, #tpu.memory_space<vmem>>
      %dma_wait3A_462 = arith.constant 0 : i32
      %dma_wait3A_463 = arith.constant 0 : i32
      %dma_wait3A_464 = tpu.memref_slice %arg3[%dma_wait3A_462, %dma_wait3A_463] : memref<32x1000000xf32, #tpu.memory_space<hbm>> -> memref<32x128xf32, #tpu.memory_space<hbm>>
      tpu.wait_dma2 semaphore(%arg8 : memref<!tpu.dma_semaphore, #tpu.memory_space<semaphore_mem>>) src(%dma_wait3A_464 : memref<32x128xf32, #tpu.memory_space<hbm>>) dst(%dma_wait3A_461 : memref<32x128xf32, #tpu.memory_space<vmem>>)
      %dma_wait3A_465 = arith.constant 13 : i32
      %dma_wait3A_466 = arith.constant 0 : i32
      %dma_wait3A_467 = arith.constant 0 : i32
      %dma_wait3A_468 = tpu.memref_slice %arg6[%dma_wait3A_465, %dma_wait3A_466, %dma_wait3A_467] : memref<16x32x128xf32, #tpu.memory_space<vmem>> -> memref<1x32x128xf32, #tpu.memory_space<vmem>>
      %dma_wait3A_469 = tpu.memref_squeeze %dma_wait3A_468 : memref<1x32x128xf32, #tpu.memory_space<vmem>> -> memref<32x128xf32, #tpu.memory_space<vmem>>
      %dma_wait3A_470 = arith.constant 0 : i32
      %dma_wait3A_471 = arith.constant 0 : i32
      %dma_wait3A_472 = tpu.memref_slice %arg3[%dma_wait3A_470, %dma_wait3A_471] : memref<32x1000000xf32, #tpu.memory_space<hbm>> -> memref<32x128xf32, #tpu.memory_space<hbm>>
      %dma_wait3A_473 = arith.constant 0 : i32
      %dma_wait3A_474 = arith.constant 0 : i32
      %dma_wait3A_475 = tpu.memref_slice %arg6[%dma_wait3A_465, %dma_wait3A_473, %dma_wait3A_474] : memref<16x32x128xf32, #tpu.memory_space<vmem>> -> memref<1x32x128xf32, #tpu.memory_space<vmem>>
      %dma_wait3A_476 = tpu.memref_squeeze %dma_wait3A_475 : memref<1x32x128xf32, #tpu.memory_space<vmem>> -> memref<32x128xf32, #tpu.memory_space<vmem>>
      %dma_wait3A_477 = arith.constant 0 : i32
      %dma_wait3A_478 = arith.constant 0 : i32
      %dma_wait3A_479 = tpu.memref_slice %arg3[%dma_wait3A_477, %dma_wait3A_478] : memref<32x1000000xf32, #tpu.memory_space<hbm>> -> memref<32x128xf32, #tpu.memory_space<hbm>>
      tpu.wait_dma2 semaphore(%arg8 : memref<!tpu.dma_semaphore, #tpu.memory_space<semaphore_mem>>) src(%dma_wait3A_479 : memref<32x128xf32, #tpu.memory_space<hbm>>) dst(%dma_wait3A_476 : memref<32x128xf32, #tpu.memory_space<vmem>>)
      %dma_wait3A_480 = arith.constant 14 : i32
      %dma_wait3A_481 = arith.constant 0 : i32
      %dma_wait3A_482 = arith.constant 0 : i32
      %dma_wait3A_483 = tpu.memref_slice %arg6[%dma_wait3A_480, %dma_wait3A_481, %dma_wait3A_482] : memref<16x32x128xf32, #tpu.memory_space<vmem>> -> memref<1x32x128xf32, #tpu.memory_space<vmem>>
      %dma_wait3A_484 = tpu.memref_squeeze %dma_wait3A_483 : memref<1x32x128xf32, #tpu.memory_space<vmem>> -> memref<32x128xf32, #tpu.memory_space<vmem>>
      %dma_wait3A_485 = arith.constant 0 : i32
      %dma_wait3A_486 = arith.constant 0 : i32
      %dma_wait3A_487 = tpu.memref_slice %arg3[%dma_wait3A_485, %dma_wait3A_486] : memref<32x1000000xf32, #tpu.memory_space<hbm>> -> memref<32x128xf32, #tpu.memory_space<hbm>>
      %dma_wait3A_488 = arith.constant 0 : i32
      %dma_wait3A_489 = arith.constant 0 : i32
      %dma_wait3A_490 = tpu.memref_slice %arg6[%dma_wait3A_480, %dma_wait3A_488, %dma_wait3A_489] : memref<16x32x128xf32, #tpu.memory_space<vmem>> -> memref<1x32x128xf32, #tpu.memory_space<vmem>>
      %dma_wait3A_491 = tpu.memref_squeeze %dma_wait3A_490 : memref<1x32x128xf32, #tpu.memory_space<vmem>> -> memref<32x128xf32, #tpu.memory_space<vmem>>
      %dma_wait3A_492 = arith.constant 0 : i32
      %dma_wait3A_493 = arith.constant 0 : i32
      %dma_wait3A_494 = tpu.memref_slice %arg3[%dma_wait3A_492, %dma_wait3A_493] : memref<32x1000000xf32, #tpu.memory_space<hbm>> -> memref<32x128xf32, #tpu.memory_space<hbm>>
      tpu.wait_dma2 semaphore(%arg8 : memref<!tpu.dma_semaphore, #tpu.memory_space<semaphore_mem>>) src(%dma_wait3A_494 : memref<32x128xf32, #tpu.memory_space<hbm>>) dst(%dma_wait3A_491 : memref<32x128xf32, #tpu.memory_space<vmem>>)
      %dma_wait3A_495 = arith.constant 15 : i32
      %dma_wait3A_496 = arith.constant 0 : i32
      %dma_wait3A_497 = arith.constant 0 : i32
      %dma_wait3A_498 = tpu.memref_slice %arg6[%dma_wait3A_495, %dma_wait3A_496, %dma_wait3A_497] : memref<16x32x128xf32, #tpu.memory_space<vmem>> -> memref<1x32x128xf32, #tpu.memory_space<vmem>>
      %dma_wait3A_499 = tpu.memref_squeeze %dma_wait3A_498 : memref<1x32x128xf32, #tpu.memory_space<vmem>> -> memref<32x128xf32, #tpu.memory_space<vmem>>
      %dma_wait3A_500 = arith.constant 0 : i32
      %dma_wait3A_501 = arith.constant 0 : i32
      %dma_wait3A_502 = tpu.memref_slice %arg3[%dma_wait3A_500, %dma_wait3A_501] : memref<32x1000000xf32, #tpu.memory_space<hbm>> -> memref<32x128xf32, #tpu.memory_space<hbm>>
      %dma_wait3A_503 = arith.constant 0 : i32
      %dma_wait3A_504 = arith.constant 0 : i32
      %dma_wait3A_505 = tpu.memref_slice %arg6[%dma_wait3A_495, %dma_wait3A_503, %dma_wait3A_504] : memref<16x32x128xf32, #tpu.memory_space<vmem>> -> memref<1x32x128xf32, #tpu.memory_space<vmem>>
      %dma_wait3A_506 = tpu.memref_squeeze %dma_wait3A_505 : memref<1x32x128xf32, #tpu.memory_space<vmem>> -> memref<32x128xf32, #tpu.memory_space<vmem>>
      %dma_wait3A_507 = arith.constant 0 : i32
      %dma_wait3A_508 = arith.constant 0 : i32
      %dma_wait3A_509 = tpu.memref_slice %arg3[%dma_wait3A_507, %dma_wait3A_508] : memref<32x1000000xf32, #tpu.memory_space<hbm>> -> memref<32x128xf32, #tpu.memory_space<hbm>>
      tpu.wait_dma2 semaphore(%arg8 : memref<!tpu.dma_semaphore, #tpu.memory_space<semaphore_mem>>) src(%dma_wait3A_509 : memref<32x128xf32, #tpu.memory_space<hbm>>) dst(%dma_wait3A_506 : memref<32x128xf32, #tpu.memory_space<vmem>>)
      %add3A_510 = arith.constant 0 : i32
      %add3A_511 = arith.addi %mul3A_13, %add3A_510 : i32
      %get3A_512 = arith.index_cast %add3A_511 : i32 to index
      %get3A_513 = tpu.vector_load %arg5[%get3A_512] {strides = array<i32>} : memref<512xi32, #tpu.memory_space<vmem>>, vector<16xi32>,
      %and3A_514 = arith.constant 127 : i32
      %and3A_515 = vector.broadcast %and3A_514 : i32 to vector<16xi32>
      %and3A_516 = arith.andi %get3A_513, %and3A_515 : vector<16xi32>
      %iota3A = tpu.iota {dimensions = array<i32: 0>} : vector<16xi32>
      %add3A_517 = arith.constant 0 : i32
      %add3A_518 = vector.broadcast %add3A_517 : i32 to vector<16xi32>
      %add3A_519 = arith.addi %iota3A, %add3A_518 : vector<16xi32>
      %broadcast_in_dim3A = arith.constant 0 : i32
      %broadcast_in_dim3A_520 = vector.broadcast %broadcast_in_dim3A : i32 to vector<16xi32>
      %gather3A = tpu.vector_load_idx %arg6[%add3A_519, %broadcast_in_dim3A_520, %and3A_516] : memref<16x32x128xf32, #tpu.memory_space<vmem>>[vector<16xi32>, vector<16xi32>, vector<16xi32>], vector<16xf32>,
      %add3A_521 = arith.constant 0 : i32
      %add3A_522 = arith.addi %mul3A_13, %add3A_521 : i32
      %swap3A = arith.constant 0 : i32
      %swap3A_523 = arith.index_cast %swap3A : i32 to index
      %swap3A_524 = arith.index_cast %add3A_522 : i32 to index
      %swap3A_525 = tpu.vector_load %arg7[%swap3A_523, %swap3A_524] {strides = array<i32>} : memref<32x512xf32, #tpu.memory_space<vmem>>, vector<16xf32>,
      tpu.vector_store %arg7[%swap3A_523, %swap3A_524], %gather3A {strides = array<i32>} : memref<32x512xf32, #tpu.memory_space<vmem>>, vector<16xf32>,
      %broadcast_in_dim3A_526 = arith.constant 1 : i32
      %broadcast_in_dim3A_527 = vector.broadcast %broadcast_in_dim3A_526 : i32 to vector<16xi32>
      %gather3A_528 = tpu.vector_load_idx %arg6[%add3A_519, %broadcast_in_dim3A_527, %and3A_516] : memref<16x32x128xf32, #tpu.memory_space<vmem>>[vector<16xi32>, vector<16xi32>, vector<16xi32>], vector<16xf32>,
      %add3A_529 = arith.constant 0 : i32
      %add3A_530 = arith.addi %mul3A_13, %add3A_529 : i32
      %swap3A_531 = arith.constant 1 : i32
      %swap3A_532 = arith.index_cast %swap3A_531 : i32 to index
      %swap3A_533 = arith.index_cast %add3A_530 : i32 to index
      %swap3A_534 = tpu.vector_load %arg7[%swap3A_532, %swap3A_533] {strides = array<i32>} : memref<32x512xf32, #tpu.memory_space<vmem>>, vector<16xf32>,
      tpu.vector_store %arg7[%swap3A_532, %swap3A_533], %gather3A_528 {strides = array<i32>} : memref<32x512xf32, #tpu.memory_space<vmem>>, vector<16xf32>,
      %broadcast_in_dim3A_535 = arith.constant 2 : i32
      %broadcast_in_dim3A_536 = vector.broadcast %broadcast_in_dim3A_535 : i32 to vector<16xi32>
      %gather3A_537 = tpu.vector_load_idx %arg6[%add3A_519, %broadcast_in_dim3A_536, %and3A_516] : memref<16x32x128xf32, #tpu.memory_space<vmem>>[vector<16xi32>, vector<16xi32>, vector<16xi32>], vector<16xf32>,
      %add3A_538 = arith.constant 0 : i32
      %add3A_539 = arith.addi %mul3A_13, %add3A_538 : i32
      %swap3A_540 = arith.constant 2 : i32
      %swap3A_541 = arith.index_cast %swap3A_540 : i32 to index
      %swap3A_542 = arith.index_cast %add3A_539 : i32 to index
      %swap3A_543 = tpu.vector_load %arg7[%swap3A_541, %swap3A_542] {strides = array<i32>} : memref<32x512xf32, #tpu.memory_space<vmem>>, vector<16xf32>,
      tpu.vector_store %arg7[%swap3A_541, %swap3A_542], %gather3A_537 {strides = array<i32>} : memref<32x512xf32, #tpu.memory_space<vmem>>, vector<16xf32>,
      %broadcast_in_dim3A_544 = arith.constant 3 : i32
      %broadcast_in_dim3A_545 = vector.broadcast %broadcast_in_dim3A_544 : i32 to vector<16xi32>
      %gather3A_546 = tpu.vector_load_idx %arg6[%add3A_519, %broadcast_in_dim3A_545, %and3A_516] : memref<16x32x128xf32, #tpu.memory_space<vmem>>[vector<16xi32>, vector<16xi32>, vector<16xi32>], vector<16xf32>,
      %add3A_547 = arith.constant 0 : i32
      %add3A_548 = arith.addi %mul3A_13, %add3A_547 : i32
      %swap3A_549 = arith.constant 3 : i32
      %swap3A_550 = arith.index_cast %swap3A_549 : i32 to index
      %swap3A_551 = arith.index_cast %add3A_548 : i32 to index
      %swap3A_552 = tpu.vector_load %arg7[%swap3A_550, %swap3A_551] {strides = array<i32>} : memref<32x512xf32, #tpu.memory_space<vmem>>, vector<16xf32>,
      tpu.vector_store %arg7[%swap3A_550, %swap3A_551], %gather3A_546 {strides = array<i32>} : memref<32x512xf32, #tpu.memory_space<vmem>>, vector<16xf32>,
      %broadcast_in_dim3A_553 = arith.constant 4 : i32
      %broadcast_in_dim3A_554 = vector.broadcast %broadcast_in_dim3A_553 : i32 to vector<16xi32>
      %gather3A_555 = tpu.vector_load_idx %arg6[%add3A_519, %broadcast_in_dim3A_554, %and3A_516] : memref<16x32x128xf32, #tpu.memory_space<vmem>>[vector<16xi32>, vector<16xi32>, vector<16xi32>], vector<16xf32>,
      %add3A_556 = arith.constant 0 : i32
      %add3A_557 = arith.addi %mul3A_13, %add3A_556 : i32
      %swap3A_558 = arith.constant 4 : i32
      %swap3A_559 = arith.index_cast %swap3A_558 : i32 to index
      %swap3A_560 = arith.index_cast %add3A_557 : i32 to index
      %swap3A_561 = tpu.vector_load %arg7[%swap3A_559, %swap3A_560] {strides = array<i32>} : memref<32x512xf32, #tpu.memory_space<vmem>>, vector<16xf32>,
      tpu.vector_store %arg7[%swap3A_559, %swap3A_560], %gather3A_555 {strides = array<i32>} : memref<32x512xf32, #tpu.memory_space<vmem>>, vector<16xf32>,
      %broadcast_in_dim3A_562 = arith.constant 5 : i32
      %broadcast_in_dim3A_563 = vector.broadcast %broadcast_in_dim3A_562 : i32 to vector<16xi32>
      %gather3A_564 = tpu.vector_load_idx %arg6[%add3A_519, %broadcast_in_dim3A_563, %and3A_516] : memref<16x32x128xf32, #tpu.memory_space<vmem>>[vector<16xi32>, vector<16xi32>, vector<16xi32>], vector<16xf32>,
      %add3A_565 = arith.constant 0 : i32
      %add3A_566 = arith.addi %mul3A_13, %add3A_565 : i32
      %swap3A_567 = arith.constant 5 : i32
      %swap3A_568 = arith.index_cast %swap3A_567 : i32 to index
      %swap3A_569 = arith.index_cast %add3A_566 : i32 to index
      %swap3A_570 = tpu.vector_load %arg7[%swap3A_568, %swap3A_569] {strides = array<i32>} : memref<32x512xf32, #tpu.memory_space<vmem>>, vector<16xf32>,
      tpu.vector_store %arg7[%swap3A_568, %swap3A_569], %gather3A_564 {strides = array<i32>} : memref<32x512xf32, #tpu.memory_space<vmem>>, vector<16xf32>,
      %broadcast_in_dim3A_571 = arith.constant 6 : i32
      %broadcast_in_dim3A_572 = vector.broadcast %broadcast_in_dim3A_571 : i32 to vector<16xi32>
      %gather3A_573 = tpu.vector_load_idx %arg6[%add3A_519, %broadcast_in_dim3A_572, %and3A_516] : memref<16x32x128xf32, #tpu.memory_space<vmem>>[vector<16xi32>, vector<16xi32>, vector<16xi32>], vector<16xf32>,
      %add3A_574 = arith.constant 0 : i32
      %add3A_575 = arith.addi %mul3A_13, %add3A_574 : i32
      %swap3A_576 = arith.constant 6 : i32
      %swap3A_577 = arith.index_cast %swap3A_576 : i32 to index
      %swap3A_578 = arith.index_cast %add3A_575 : i32 to index
      %swap3A_579 = tpu.vector_load %arg7[%swap3A_577, %swap3A_578] {strides = array<i32>} : memref<32x512xf32, #tpu.memory_space<vmem>>, vector<16xf32>,
      tpu.vector_store %arg7[%swap3A_577, %swap3A_578], %gather3A_573 {strides = array<i32>} : memref<32x512xf32, #tpu.memory_space<vmem>>, vector<16xf32>,
      %broadcast_in_dim3A_580 = arith.constant 7 : i32
      %broadcast_in_dim3A_581 = vector.broadcast %broadcast_in_dim3A_580 : i32 to vector<16xi32>
      %gather3A_582 = tpu.vector_load_idx %arg6[%add3A_519, %broadcast_in_dim3A_581, %and3A_516] : memref<16x32x128xf32, #tpu.memory_space<vmem>>[vector<16xi32>, vector<16xi32>, vector<16xi32>], vector<16xf32>,
      %add3A_583 = arith.constant 0 : i32
      %add3A_584 = arith.addi %mul3A_13, %add3A_583 : i32
      %swap3A_585 = arith.constant 7 : i32
      %swap3A_586 = arith.index_cast %swap3A_585 : i32 to index
      %swap3A_587 = arith.index_cast %add3A_584 : i32 to index
      %swap3A_588 = tpu.vector_load %arg7[%swap3A_586, %swap3A_587] {strides = array<i32>} : memref<32x512xf32, #tpu.memory_space<vmem>>, vector<16xf32>,
      tpu.vector_store %arg7[%swap3A_586, %swap3A_587], %gather3A_582 {strides = array<i32>} : memref<32x512xf32, #tpu.memory_space<vmem>>, vector<16xf32>,
      %broadcast_in_dim3A_589 = arith.constant 8 : i32
      %broadcast_in_dim3A_590 = vector.broadcast %broadcast_in_dim3A_589 : i32 to vector<16xi32>
      %gather3A_591 = tpu.vector_load_idx %arg6[%add3A_519, %broadcast_in_dim3A_590, %and3A_516] : memref<16x32x128xf32, #tpu.memory_space<vmem>>[vector<16xi32>, vector<16xi32>, vector<16xi32>], vector<16xf32>,
      %add3A_592 = arith.constant 0 : i32
      %add3A_593 = arith.addi %mul3A_13, %add3A_592 : i32
      %swap3A_594 = arith.constant 8 : i32
      %swap3A_595 = arith.index_cast %swap3A_594 : i32 to index
      %swap3A_596 = arith.index_cast %add3A_593 : i32 to index
      %swap3A_597 = tpu.vector_load %arg7[%swap3A_595, %swap3A_596] {strides = array<i32>} : memref<32x512xf32, #tpu.memory_space<vmem>>, vector<16xf32>,
      tpu.vector_store %arg7[%swap3A_595, %swap3A_596], %gather3A_591 {strides = array<i32>} : memref<32x512xf32, #tpu.memory_space<vmem>>, vector<16xf32>,
      %broadcast_in_dim3A_598 = arith.constant 9 : i32
      %broadcast_in_dim3A_599 = vector.broadcast %broadcast_in_dim3A_598 : i32 to vector<16xi32>
      %gather3A_600 = tpu.vector_load_idx %arg6[%add3A_519, %broadcast_in_dim3A_599, %and3A_516] : memref<16x32x128xf32, #tpu.memory_space<vmem>>[vector<16xi32>, vector<16xi32>, vector<16xi32>], vector<16xf32>,
      %add3A_601 = arith.constant 0 : i32
      %add3A_602 = arith.addi %mul3A_13, %add3A_601 : i32
      %swap3A_603 = arith.constant 9 : i32
      %swap3A_604 = arith.index_cast %swap3A_603 : i32 to index
      %swap3A_605 = arith.index_cast %add3A_602 : i32 to index
      %swap3A_606 = tpu.vector_load %arg7[%swap3A_604, %swap3A_605] {strides = array<i32>} : memref<32x512xf32, #tpu.memory_space<vmem>>, vector<16xf32>,
      tpu.vector_store %arg7[%swap3A_604, %swap3A_605], %gather3A_600 {strides = array<i32>} : memref<32x512xf32, #tpu.memory_space<vmem>>, vector<16xf32>,
      %broadcast_in_dim3A_607 = arith.constant 10 : i32
      %broadcast_in_dim3A_608 = vector.broadcast %broadcast_in_dim3A_607 : i32 to vector<16xi32>
      %gather3A_609 = tpu.vector_load_idx %arg6[%add3A_519, %broadcast_in_dim3A_608, %and3A_516] : memref<16x32x128xf32, #tpu.memory_space<vmem>>[vector<16xi32>, vector<16xi32>, vector<16xi32>], vector<16xf32>,
      %add3A_610 = arith.constant 0 : i32
      %add3A_611 = arith.addi %mul3A_13, %add3A_610 : i32
      %swap3A_612 = arith.constant 10 : i32
      %swap3A_613 = arith.index_cast %swap3A_612 : i32 to index
      %swap3A_614 = arith.index_cast %add3A_611 : i32 to index
      %swap3A_615 = tpu.vector_load %arg7[%swap3A_613, %swap3A_614] {strides = array<i32>} : memref<32x512xf32, #tpu.memory_space<vmem>>, vector<16xf32>,
      tpu.vector_store %arg7[%swap3A_613, %swap3A_614], %gather3A_609 {strides = array<i32>} : memref<32x512xf32, #tpu.memory_space<vmem>>, vector<16xf32>,
      %broadcast_in_dim3A_616 = arith.constant 11 : i32
      %broadcast_in_dim3A_617 = vector.broadcast %broadcast_in_dim3A_616 : i32 to vector<16xi32>
      %gather3A_618 = tpu.vector_load_idx %arg6[%add3A_519, %broadcast_in_dim3A_617, %and3A_516] : memref<16x32x128xf32, #tpu.memory_space<vmem>>[vector<16xi32>, vector<16xi32>, vector<16xi32>], vector<16xf32>,
      %add3A_619 = arith.constant 0 : i32
      %add3A_620 = arith.addi %mul3A_13, %add3A_619 : i32
      %swap3A_621 = arith.constant 11 : i32
      %swap3A_622 = arith.index_cast %swap3A_621 : i32 to index
      %swap3A_623 = arith.index_cast %add3A_620 : i32 to index
      %swap3A_624 = tpu.vector_load %arg7[%swap3A_622, %swap3A_623] {strides = array<i32>} : memref<32x512xf32, #tpu.memory_space<vmem>>, vector<16xf32>,
      tpu.vector_store %arg7[%swap3A_622, %swap3A_623], %gather3A_618 {strides = array<i32>} : memref<32x512xf32, #tpu.memory_space<vmem>>, vector<16xf32>,
      %broadcast_in_dim3A_625 = arith.constant 12 : i32
      %broadcast_in_dim3A_626 = vector.broadcast %broadcast_in_dim3A_625 : i32 to vector<16xi32>
      %gather3A_627 = tpu.vector_load_idx %arg6[%add3A_519, %broadcast_in_dim3A_626, %and3A_516] : memref<16x32x128xf32, #tpu.memory_space<vmem>>[vector<16xi32>, vector<16xi32>, vector<16xi32>], vector<16xf32>,
      %add3A_628 = arith.constant 0 : i32
      %add3A_629 = arith.addi %mul3A_13, %add3A_628 : i32
      %swap3A_630 = arith.constant 12 : i32
      %swap3A_631 = arith.index_cast %swap3A_630 : i32 to index
      %swap3A_632 = arith.index_cast %add3A_629 : i32 to index
      %swap3A_633 = tpu.vector_load %arg7[%swap3A_631, %swap3A_632] {strides = array<i32>} : memref<32x512xf32, #tpu.memory_space<vmem>>, vector<16xf32>,
      tpu.vector_store %arg7[%swap3A_631, %swap3A_632], %gather3A_627 {strides = array<i32>} : memref<32x512xf32, #tpu.memory_space<vmem>>, vector<16xf32>,
      %broadcast_in_dim3A_634 = arith.constant 13 : i32
      %broadcast_in_dim3A_635 = vector.broadcast %broadcast_in_dim3A_634 : i32 to vector<16xi32>
      %gather3A_636 = tpu.vector_load_idx %arg6[%add3A_519, %broadcast_in_dim3A_635, %and3A_516] : memref<16x32x128xf32, #tpu.memory_space<vmem>>[vector<16xi32>, vector<16xi32>, vector<16xi32>], vector<16xf32>,
      %add3A_637 = arith.constant 0 : i32
      %add3A_638 = arith.addi %mul3A_13, %add3A_637 : i32
      %swap3A_639 = arith.constant 13 : i32
      %swap3A_640 = arith.index_cast %swap3A_639 : i32 to index
      %swap3A_641 = arith.index_cast %add3A_638 : i32 to index
      %swap3A_642 = tpu.vector_load %arg7[%swap3A_640, %swap3A_641] {strides = array<i32>} : memref<32x512xf32, #tpu.memory_space<vmem>>, vector<16xf32>,
      tpu.vector_store %arg7[%swap3A_640, %swap3A_641], %gather3A_636 {strides = array<i32>} : memref<32x512xf32, #tpu.memory_space<vmem>>, vector<16xf32>,
      %broadcast_in_dim3A_643 = arith.constant 14 : i32
      %broadcast_in_dim3A_644 = vector.broadcast %broadcast_in_dim3A_643 : i32 to vector<16xi32>
      %gather3A_645 = tpu.vector_load_idx %arg6[%add3A_519, %broadcast_in_dim3A_644, %and3A_516] : memref<16x32x128xf32, #tpu.memory_space<vmem>>[vector<16xi32>, vector<16xi32>, vector<16xi32>], vector<16xf32>,
      %add3A_646 = arith.constant 0 : i32
      %add3A_647 = arith.addi %mul3A_13, %add3A_646 : i32
      %swap3A_648 = arith.constant 14 : i32
      %swap3A_649 = arith.index_cast %swap3A_648 : i32 to index
      %swap3A_650 = arith.index_cast %add3A_647 : i32 to index
      %swap3A_651 = tpu.vector_load %arg7[%swap3A_649, %swap3A_650] {strides = array<i32>} : memref<32x512xf32, #tpu.memory_space<vmem>>, vector<16xf32>,
      tpu.vector_store %arg7[%swap3A_649, %swap3A_650], %gather3A_645 {strides = array<i32>} : memref<32x512xf32, #tpu.memory_space<vmem>>, vector<16xf32>,
      %broadcast_in_dim3A_652 = arith.constant 15 : i32
      %broadcast_in_dim3A_653 = vector.broadcast %broadcast_in_dim3A_652 : i32 to vector<16xi32>
      %gather3A_654 = tpu.vector_load_idx %arg6[%add3A_519, %broadcast_in_dim3A_653, %and3A_516] : memref<16x32x128xf32, #tpu.memory_space<vmem>>[vector<16xi32>, vector<16xi32>, vector<16xi32>], vector<16xf32>,
      %add3A_655 = arith.constant 0 : i32
      %add3A_656 = arith.addi %mul3A_13, %add3A_655 : i32
      %swap3A_657 = arith.constant 15 : i32
      %swap3A_658 = arith.index_cast %swap3A_657 : i32 to index
      %swap3A_659 = arith.index_cast %add3A_656 : i32 to index
      %swap3A_660 = tpu.vector_load %arg7[%swap3A_658, %swap3A_659] {strides = array<i32>} : memref<32x512xf32, #tpu.memory_space<vmem>>, vector<16xf32>,
      tpu.vector_store %arg7[%swap3A_658, %swap3A_659], %gather3A_654 {strides = array<i32>} : memref<32x512xf32, #tpu.memory_space<vmem>>, vector<16xf32>,
      %broadcast_in_dim3A_661 = arith.constant 16 : i32
      %broadcast_in_dim3A_662 = vector.broadcast %broadcast_in_dim3A_661 : i32 to vector<16xi32>
      %gather3A_663 = tpu.vector_load_idx %arg6[%add3A_519, %broadcast_in_dim3A_662, %and3A_516] : memref<16x32x128xf32, #tpu.memory_space<vmem>>[vector<16xi32>, vector<16xi32>, vector<16xi32>], vector<16xf32>,
      %add3A_664 = arith.constant 0 : i32
      %add3A_665 = arith.addi %mul3A_13, %add3A_664 : i32
      %swap3A_666 = arith.constant 16 : i32
      %swap3A_667 = arith.index_cast %swap3A_666 : i32 to index
      %swap3A_668 = arith.index_cast %add3A_665 : i32 to index
      %swap3A_669 = tpu.vector_load %arg7[%swap3A_667, %swap3A_668] {strides = array<i32>} : memref<32x512xf32, #tpu.memory_space<vmem>>, vector<16xf32>,
      tpu.vector_store %arg7[%swap3A_667, %swap3A_668], %gather3A_663 {strides = array<i32>} : memref<32x512xf32, #tpu.memory_space<vmem>>, vector<16xf32>,
      %broadcast_in_dim3A_670 = arith.constant 17 : i32
      %broadcast_in_dim3A_671 = vector.broadcast %broadcast_in_dim3A_670 : i32 to vector<16xi32>
      %gather3A_672 = tpu.vector_load_idx %arg6[%add3A_519, %broadcast_in_dim3A_671, %and3A_516] : memref<16x32x128xf32, #tpu.memory_space<vmem>>[vector<16xi32>, vector<16xi32>, vector<16xi32>], vector<16xf32>,
      %add3A_673 = arith.constant 0 : i32
      %add3A_674 = arith.addi %mul3A_13, %add3A_673 : i32
      %swap3A_675 = arith.constant 17 : i32
      %swap3A_676 = arith.index_cast %swap3A_675 : i32 to index
      %swap3A_677 = arith.index_cast %add3A_674 : i32 to index
      %swap3A_678 = tpu.vector_load %arg7[%swap3A_676, %swap3A_677] {strides = array<i32>} : memref<32x512xf32, #tpu.memory_space<vmem>>, vector<16xf32>,
      tpu.vector_store %arg7[%swap3A_676, %swap3A_677], %gather3A_672 {strides = array<i32>} : memref<32x512xf32, #tpu.memory_space<vmem>>, vector<16xf32>,
      %broadcast_in_dim3A_679 = arith.constant 18 : i32
      %broadcast_in_dim3A_680 = vector.broadcast %broadcast_in_dim3A_679 : i32 to vector<16xi32>
      %gather3A_681 = tpu.vector_load_idx %arg6[%add3A_519, %broadcast_in_dim3A_680, %and3A_516] : memref<16x32x128xf32, #tpu.memory_space<vmem>>[vector<16xi32>, vector<16xi32>, vector<16xi32>], vector<16xf32>,
      %add3A_682 = arith.constant 0 : i32
      %add3A_683 = arith.addi %mul3A_13, %add3A_682 : i32
      %swap3A_684 = arith.constant 18 : i32
      %swap3A_685 = arith.index_cast %swap3A_684 : i32 to index
      %swap3A_686 = arith.index_cast %add3A_683 : i32 to index
      %swap3A_687 = tpu.vector_load %arg7[%swap3A_685, %swap3A_686] {strides = array<i32>} : memref<32x512xf32, #tpu.memory_space<vmem>>, vector<16xf32>,
      tpu.vector_store %arg7[%swap3A_685, %swap3A_686], %gather3A_681 {strides = array<i32>} : memref<32x512xf32, #tpu.memory_space<vmem>>, vector<16xf32>,
      %broadcast_in_dim3A_688 = arith.constant 19 : i32
      %broadcast_in_dim3A_689 = vector.broadcast %broadcast_in_dim3A_688 : i32 to vector<16xi32>
      %gather3A_690 = tpu.vector_load_idx %arg6[%add3A_519, %broadcast_in_dim3A_689, %and3A_516] : memref<16x32x128xf32, #tpu.memory_space<vmem>>[vector<16xi32>, vector<16xi32>, vector<16xi32>], vector<16xf32>,
      %add3A_691 = arith.constant 0 : i32
      %add3A_692 = arith.addi %mul3A_13, %add3A_691 : i32
      %swap3A_693 = arith.constant 19 : i32
      %swap3A_694 = arith.index_cast %swap3A_693 : i32 to index
      %swap3A_695 = arith.index_cast %add3A_692 : i32 to index
      %swap3A_696 = tpu.vector_load %arg7[%swap3A_694, %swap3A_695] {strides = array<i32>} : memref<32x512xf32, #tpu.memory_space<vmem>>, vector<16xf32>,
      tpu.vector_store %arg7[%swap3A_694, %swap3A_695], %gather3A_690 {strides = array<i32>} : memref<32x512xf32, #tpu.memory_space<vmem>>, vector<16xf32>,
      %broadcast_in_dim3A_697 = arith.constant 20 : i32
      %broadcast_in_dim3A_698 = vector.broadcast %broadcast_in_dim3A_697 : i32 to vector<16xi32>
      %gather3A_699 = tpu.vector_load_idx %arg6[%add3A_519, %broadcast_in_dim3A_698, %and3A_516] : memref<16x32x128xf32, #tpu.memory_space<vmem>>[vector<16xi32>, vector<16xi32>, vector<16xi32>], vector<16xf32>,
      %add3A_700 = arith.constant 0 : i32
      %add3A_701 = arith.addi %mul3A_13, %add3A_700 : i32
      %swap3A_702 = arith.constant 20 : i32
      %swap3A_703 = arith.index_cast %swap3A_702 : i32 to index
      %swap3A_704 = arith.index_cast %add3A_701 : i32 to index
      %swap3A_705 = tpu.vector_load %arg7[%swap3A_703, %swap3A_704] {strides = array<i32>} : memref<32x512xf32, #tpu.memory_space<vmem>>, vector<16xf32>,
      tpu.vector_store %arg7[%swap3A_703, %swap3A_704], %gather3A_699 {strides = array<i32>} : memref<32x512xf32, #tpu.memory_space<vmem>>, vector<16xf32>,
      %broadcast_in_dim3A_706 = arith.constant 21 : i32
      %broadcast_in_dim3A_707 = vector.broadcast %broadcast_in_dim3A_706 : i32 to vector<16xi32>
      %gather3A_708 = tpu.vector_load_idx %arg6[%add3A_519, %broadcast_in_dim3A_707, %and3A_516] : memref<16x32x128xf32, #tpu.memory_space<vmem>>[vector<16xi32>, vector<16xi32>, vector<16xi32>], vector<16xf32>,
      %add3A_709 = arith.constant 0 : i32
      %add3A_710 = arith.addi %mul3A_13, %add3A_709 : i32
      %swap3A_711 = arith.constant 21 : i32
      %swap3A_712 = arith.index_cast %swap3A_711 : i32 to index
      %swap3A_713 = arith.index_cast %add3A_710 : i32 to index
      %swap3A_714 = tpu.vector_load %arg7[%swap3A_712, %swap3A_713] {strides = array<i32>} : memref<32x512xf32, #tpu.memory_space<vmem>>, vector<16xf32>,
      tpu.vector_store %arg7[%swap3A_712, %swap3A_713], %gather3A_708 {strides = array<i32>} : memref<32x512xf32, #tpu.memory_space<vmem>>, vector<16xf32>,
      %broadcast_in_dim3A_715 = arith.constant 22 : i32
      %broadcast_in_dim3A_716 = vector.broadcast %broadcast_in_dim3A_715 : i32 to vector<16xi32>
      %gather3A_717 = tpu.vector_load_idx %arg6[%add3A_519, %broadcast_in_dim3A_716, %and3A_516] : memref<16x32x128xf32, #tpu.memory_space<vmem>>[vector<16xi32>, vector<16xi32>, vector<16xi32>], vector<16xf32>,
      %add3A_718 = arith.constant 0 : i32
      %add3A_719 = arith.addi %mul3A_13, %add3A_718 : i32
      %swap3A_720 = arith.constant 22 : i32
      %swap3A_721 = arith.index_cast %swap3A_720 : i32 to index
      %swap3A_722 = arith.index_cast %add3A_719 : i32 to index
      %swap3A_723 = tpu.vector_load %arg7[%swap3A_721, %swap3A_722] {strides = array<i32>} : memref<32x512xf32, #tpu.memory_space<vmem>>, vector<16xf32>,
      tpu.vector_store %arg7[%swap3A_721, %swap3A_722], %gather3A_717 {strides = array<i32>} : memref<32x512xf32, #tpu.memory_space<vmem>>, vector<16xf32>,
      %broadcast_in_dim3A_724 = arith.constant 23 : i32
      %broadcast_in_dim3A_725 = vector.broadcast %broadcast_in_dim3A_724 : i32 to vector<16xi32>
      %gather3A_726 = tpu.vector_load_idx %arg6[%add3A_519, %broadcast_in_dim3A_725, %and3A_516] : memref<16x32x128xf32, #tpu.memory_space<vmem>>[vector<16xi32>, vector<16xi32>, vector<16xi32>], vector<16xf32>,
      %add3A_727 = arith.constant 0 : i32
      %add3A_728 = arith.addi %mul3A_13, %add3A_727 : i32
      %swap3A_729 = arith.constant 23 : i32
      %swap3A_730 = arith.index_cast %swap3A_729 : i32 to index
      %swap3A_731 = arith.index_cast %add3A_728 : i32 to index
      %swap3A_732 = tpu.vector_load %arg7[%swap3A_730, %swap3A_731] {strides = array<i32>} : memref<32x512xf32, #tpu.memory_space<vmem>>, vector<16xf32>,
      tpu.vector_store %arg7[%swap3A_730, %swap3A_731], %gather3A_726 {strides = array<i32>} : memref<32x512xf32, #tpu.memory_space<vmem>>, vector<16xf32>,
      %broadcast_in_dim3A_733 = arith.constant 24 : i32
      %broadcast_in_dim3A_734 = vector.broadcast %broadcast_in_dim3A_733 : i32 to vector<16xi32>
      %gather3A_735 = tpu.vector_load_idx %arg6[%add3A_519, %broadcast_in_dim3A_734, %and3A_516] : memref<16x32x128xf32, #tpu.memory_space<vmem>>[vector<16xi32>, vector<16xi32>, vector<16xi32>], vector<16xf32>,
      %add3A_736 = arith.constant 0 : i32
      %add3A_737 = arith.addi %mul3A_13, %add3A_736 : i32
      %swap3A_738 = arith.constant 24 : i32
      %swap3A_739 = arith.index_cast %swap3A_738 : i32 to index
      %swap3A_740 = arith.index_cast %add3A_737 : i32 to index
      %swap3A_741 = tpu.vector_load %arg7[%swap3A_739, %swap3A_740] {strides = array<i32>} : memref<32x512xf32, #tpu.memory_space<vmem>>, vector<16xf32>,
      tpu.vector_store %arg7[%swap3A_739, %swap3A_740], %gather3A_735 {strides = array<i32>} : memref<32x512xf32, #tpu.memory_space<vmem>>, vector<16xf32>,
      %broadcast_in_dim3A_742 = arith.constant 25 : i32
      %broadcast_in_dim3A_743 = vector.broadcast %broadcast_in_dim3A_742 : i32 to vector<16xi32>
      %gather3A_744 = tpu.vector_load_idx %arg6[%add3A_519, %broadcast_in_dim3A_743, %and3A_516] : memref<16x32x128xf32, #tpu.memory_space<vmem>>[vector<16xi32>, vector<16xi32>, vector<16xi32>], vector<16xf32>,
      %add3A_745 = arith.constant 0 : i32
      %add3A_746 = arith.addi %mul3A_13, %add3A_745 : i32
      %swap3A_747 = arith.constant 25 : i32
      %swap3A_748 = arith.index_cast %swap3A_747 : i32 to index
      %swap3A_749 = arith.index_cast %add3A_746 : i32 to index
      %swap3A_750 = tpu.vector_load %arg7[%swap3A_748, %swap3A_749] {strides = array<i32>} : memref<32x512xf32, #tpu.memory_space<vmem>>, vector<16xf32>,
      tpu.vector_store %arg7[%swap3A_748, %swap3A_749], %gather3A_744 {strides = array<i32>} : memref<32x512xf32, #tpu.memory_space<vmem>>, vector<16xf32>,
      %broadcast_in_dim3A_751 = arith.constant 26 : i32
      %broadcast_in_dim3A_752 = vector.broadcast %broadcast_in_dim3A_751 : i32 to vector<16xi32>
      %gather3A_753 = tpu.vector_load_idx %arg6[%add3A_519, %broadcast_in_dim3A_752, %and3A_516] : memref<16x32x128xf32, #tpu.memory_space<vmem>>[vector<16xi32>, vector<16xi32>, vector<16xi32>], vector<16xf32>,
      %add3A_754 = arith.constant 0 : i32
      %add3A_755 = arith.addi %mul3A_13, %add3A_754 : i32
      %swap3A_756 = arith.constant 26 : i32
      %swap3A_757 = arith.index_cast %swap3A_756 : i32 to index
      %swap3A_758 = arith.index_cast %add3A_755 : i32 to index
      %swap3A_759 = tpu.vector_load %arg7[%swap3A_757, %swap3A_758] {strides = array<i32>} : memref<32x512xf32, #tpu.memory_space<vmem>>, vector<16xf32>,
      tpu.vector_store %arg7[%swap3A_757, %swap3A_758], %gather3A_753 {strides = array<i32>} : memref<32x512xf32, #tpu.memory_space<vmem>>, vector<16xf32>,
      %broadcast_in_dim3A_760 = arith.constant 27 : i32
      %broadcast_in_dim3A_761 = vector.broadcast %broadcast_in_dim3A_760 : i32 to vector<16xi32>
      %gather3A_762 = tpu.vector_load_idx %arg6[%add3A_519, %broadcast_in_dim3A_761, %and3A_516] : memref<16x32x128xf32, #tpu.memory_space<vmem>>[vector<16xi32>, vector<16xi32>, vector<16xi32>], vector<16xf32>,
      %add3A_763 = arith.constant 0 : i32
      %add3A_764 = arith.addi %mul3A_13, %add3A_763 : i32
      %swap3A_765 = arith.constant 27 : i32
      %swap3A_766 = arith.index_cast %swap3A_765 : i32 to index
      %swap3A_767 = arith.index_cast %add3A_764 : i32 to index
      %swap3A_768 = tpu.vector_load %arg7[%swap3A_766, %swap3A_767] {strides = array<i32>} : memref<32x512xf32, #tpu.memory_space<vmem>>, vector<16xf32>,
      tpu.vector_store %arg7[%swap3A_766, %swap3A_767], %gather3A_762 {strides = array<i32>} : memref<32x512xf32, #tpu.memory_space<vmem>>, vector<16xf32>,
      %broadcast_in_dim3A_769 = arith.constant 28 : i32
      %broadcast_in_dim3A_770 = vector.broadcast %broadcast_in_dim3A_769 : i32 to vector<16xi32>
      %gather3A_771 = tpu.vector_load_idx %arg6[%add3A_519, %broadcast_in_dim3A_770, %and3A_516] : memref<16x32x128xf32, #tpu.memory_space<vmem>>[vector<16xi32>, vector<16xi32>, vector<16xi32>], vector<16xf32>,
      %add3A_772 = arith.constant 0 : i32
      %add3A_773 = arith.addi %mul3A_13, %add3A_772 : i32
      %swap3A_774 = arith.constant 28 : i32
      %swap3A_775 = arith.index_cast %swap3A_774 : i32 to index
      %swap3A_776 = arith.index_cast %add3A_773 : i32 to index
      %swap3A_777 = tpu.vector_load %arg7[%swap3A_775, %swap3A_776] {strides = array<i32>} : memref<32x512xf32, #tpu.memory_space<vmem>>, vector<16xf32>,
      tpu.vector_store %arg7[%swap3A_775, %swap3A_776], %gather3A_771 {strides = array<i32>} : memref<32x512xf32, #tpu.memory_space<vmem>>, vector<16xf32>,
      %broadcast_in_dim3A_778 = arith.constant 29 : i32
      %broadcast_in_dim3A_779 = vector.broadcast %broadcast_in_dim3A_778 : i32 to vector<16xi32>
      %gather3A_780 = tpu.vector_load_idx %arg6[%add3A_519, %broadcast_in_dim3A_779, %and3A_516] : memref<16x32x128xf32, #tpu.memory_space<vmem>>[vector<16xi32>, vector<16xi32>, vector<16xi32>], vector<16xf32>,
      %add3A_781 = arith.constant 0 : i32
      %add3A_782 = arith.addi %mul3A_13, %add3A_781 : i32
      %swap3A_783 = arith.constant 29 : i32
      %swap3A_784 = arith.index_cast %swap3A_783 : i32 to index
      %swap3A_785 = arith.index_cast %add3A_782 : i32 to index
      %swap3A_786 = tpu.vector_load %arg7[%swap3A_784, %swap3A_785] {strides = array<i32>} : memref<32x512xf32, #tpu.memory_space<vmem>>, vector<16xf32>,
      tpu.vector_store %arg7[%swap3A_784, %swap3A_785], %gather3A_780 {strides = array<i32>} : memref<32x512xf32, #tpu.memory_space<vmem>>, vector<16xf32>,
      %broadcast_in_dim3A_787 = arith.constant 30 : i32
      %broadcast_in_dim3A_788 = vector.broadcast %broadcast_in_dim3A_787 : i32 to vector<16xi32>
      %gather3A_789 = tpu.vector_load_idx %arg6[%add3A_519, %broadcast_in_dim3A_788, %and3A_516] : memref<16x32x128xf32, #tpu.memory_space<vmem>>[vector<16xi32>, vector<16xi32>, vector<16xi32>], vector<16xf32>,
      %add3A_790 = arith.constant 0 : i32
      %add3A_791 = arith.addi %mul3A_13, %add3A_790 : i32
      %swap3A_792 = arith.constant 30 : i32
      %swap3A_793 = arith.index_cast %swap3A_792 : i32 to index
      %swap3A_794 = arith.index_cast %add3A_791 : i32 to index
      %swap3A_795 = tpu.vector_load %arg7[%swap3A_793, %swap3A_794] {strides = array<i32>} : memref<32x512xf32, #tpu.memory_space<vmem>>, vector<16xf32>,
      tpu.vector_store %arg7[%swap3A_793, %swap3A_794], %gather3A_789 {strides = array<i32>} : memref<32x512xf32, #tpu.memory_space<vmem>>, vector<16xf32>,
      %broadcast_in_dim3A_796 = arith.constant 31 : i32
      %broadcast_in_dim3A_797 = vector.broadcast %broadcast_in_dim3A_796 : i32 to vector<16xi32>
      %gather3A_798 = tpu.vector_load_idx %arg6[%add3A_519, %broadcast_in_dim3A_797, %and3A_516] : memref<16x32x128xf32, #tpu.memory_space<vmem>>[vector<16xi32>, vector<16xi32>, vector<16xi32>], vector<16xf32>,
      %add3A_799 = arith.constant 0 : i32
      %add3A_800 = arith.addi %mul3A_13, %add3A_799 : i32
      %swap3A_801 = arith.constant 31 : i32
      %swap3A_802 = arith.index_cast %swap3A_801 : i32 to index
      %swap3A_803 = arith.index_cast %add3A_800 : i32 to index
      %swap3A_804 = tpu.vector_load %arg7[%swap3A_802, %swap3A_803] {strides = array<i32>} : memref<32x512xf32, #tpu.memory_space<vmem>>, vector<16xf32>,
      tpu.vector_store %arg7[%swap3A_802, %swap3A_803], %gather3A_798 {strides = array<i32>} : memref<32x512xf32, #tpu.memory_space<vmem>>, vector<16xf32>,
    }
    %scan3A_6 = arith.constant 32 : i32
    "tpu.region"() ({
      %run_scoped3A = tpu.sem_alloc : memref<!tpu.dma_semaphore, #tpu.memory_space<semaphore_mem>>
      %dma_start3A = arith.constant 0 : i32
      %dma_start3A_7 = tpu.memref_slice %arg4[%dma_start3A, %mul3A_2] : memref<32x16384xf32, #tpu.memory_space<hbm>> -> memref<32x512xf32, #tpu.memory_space<hbm>>
      %dma_start3A_8 = arith.constant 0 : i32
      %dma_start3A_9 = tpu.memref_slice %arg4[%dma_start3A_8, %mul3A_2] : memref<32x16384xf32, #tpu.memory_space<hbm>> -> memref<32x512xf32, #tpu.memory_space<hbm>>
      tpu.enqueue_dma source(%arg7 : memref<32x512xf32, #tpu.memory_space<vmem>>) target(%dma_start3A_9 : memref<32x512xf32, #tpu.memory_space<hbm>>) target_semaphore(%run_scoped3A : memref<!tpu.dma_semaphore, #tpu.memory_space<semaphore_mem>>)
      %dma_wait3A = arith.constant 0 : i32
      %dma_wait3A_10 = tpu.memref_slice %arg4[%dma_wait3A, %mul3A_2] : memref<32x16384xf32, #tpu.memory_space<hbm>> -> memref<32x512xf32, #tpu.memory_space<hbm>>
      %dma_wait3A_11 = arith.constant 0 : i32
      %dma_wait3A_12 = tpu.memref_slice %arg4[%dma_wait3A_11, %mul3A_2] : memref<32x16384xf32, #tpu.memory_space<hbm>> -> memref<32x512xf32, #tpu.memory_space<hbm>>
      tpu.wait_dma2 semaphore(%run_scoped3A : memref<!tpu.dma_semaphore, #tpu.memory_space<semaphore_mem>>) src(%arg7 : memref<32x512xf32, #tpu.memory_space<vmem>>) dst(%dma_wait3A_12 : memref<32x512xf32, #tpu.memory_space<hbm>>)
      tpu.yield
    }) : () -> ()
    return
  }
}

</mosaic_0001>

<sc_bundles>
// kernel: kernel.3.cloned.1.call-start
scs
__scs_entry_jumppad:
0x0: {  	(pc) =	sbr.rel $0x88, $3  }
0x1: {  	(tag) =	ssettag $0x0;
	lr =	simm.s32 $0x1  }
0x2: {  	[smem:$0x3F9F] =	sst lr;
	_ =	strace $0xD0000000  }
0x3: {  	_ = 	snop  }
0x4: {  	_ = 	snop  }
0x5: {  	_ = 	snop  }
0x6: {  	_ = 	snop  }
0x7: {  	_ = 	snop  }
__scs_overlays_trampoline_lowered:
0x8: {  	[smem:$0x3FAE] =	sst s0  }
0x9: {  	[smem:$0x3FAF] =	sst s1  }
0xa: {  	[smem:$0x3FB0] =	sst s2  }
0xb: {  	[smem:$0x3FB1] =	sst s3  }
0xc: {  	[smem:$0x3FB2] =	sst s4  }
0xd: {  	[smem:$0x3FB3] =	sst s5  }
0xe: {  	[smem:$0x3FB4] =	sst s6  }
0xf: {  	[smem:$0x3FB5] =	sst s7  }
0x10: {  	[smem:$0x3FB6] =	sst s8  }
0x11: {  	[smem:$0x3FB7] =	sst s9;
	s0 =	simm.s32 @!p0 $0x0  }
0x12: {  	s1 =	sld [smem:$0x3F9D];
	s0 =	simm.s32 @p0 $0x1  }
0x13: {  	[smem:$0x3FB8] =	sst s0;
	s0 =	simm.s32 @!p1 $0x0  }
0x14: {  	s2 =	sld [smem:$0x3F9C];
	s0 =	simm.s32 @p1 $0x1  }
0x15: {  	[smem:$0x3FB9] =	sst s0;
	s0 =	simm.s32 @!p2 $0x0  }
0x16: {  	s3 =	sld [smem:$0x3FDB];
	s0 =	simm.s32 @p2 $0x1  }
0x17: {  	s4 =	simm.s32 $0x1BF5;
	[smem:$0x3FBB] =	sst s0  }
0x18: {  	s0 =	sld [smem:$0x3F9E];
	_ =	swait.ge [sflag:s4], $0x0  }
0x19: {  	s7 =	sld [smem:$0x3F9F]  }
0x1a: {  	s8 =	sadd.s32 $0xFFFFE003, lr  }
0x1b: {  	s9 =	sadd.s32 $0xFFFFFEF7, lr;
	s5 =	simm.s32 $0xFFFFFFFF;
	p2 =	slt.u32 s8, $0xFFFFF086  }
0x1c: {  	p1 =	slt.u32 s9, $0xF7A;
	s5 =	simm.s32 @!p2 $0x0  }
0x1d: {  	s5 =	simm.s32 @p1 $0x1;
	p0 =	seq.s32 s7, s2  }
0x1e: {  	s7 =	smul.u32 @!p0 $0xF7A, s2;
	p2 =	seq.s32 @!p0 s5, $0x0  }
0x1f: {  	s9 =	smul.u32 $0xF7A, s1;
	s8 =	simm.s32 @!p0 $0x1BF5;
	p2 =	por !p2, p0  }
0x20: {  	[sflag:s8] =	ssyncset.s32 @!p0 $0xFFFFF086;
	s6 =	sadd.s32 @!p0 s3, s7;
	s7 =	simm.s32 @!p0 $0x108  }
0x21: {  	s3 =	sadd.s32 s3, s9;
	s6 =	sadd.s32 @!p0 $0x88, s6;
	s7 =	simm.s32 @p2 $0x1082  }
0x22: {  	[simem:s7], [sflag:s8] =	dma.local @!p0 [hbm:s6], $0xF7A  }
0x23: {  	s9 =	sor.u32 $0xD0000000, s2;
	s6 =	simm.s32 $0x108;
	_ =	swait.ge @!p0 [sflag:s8], $0x0  }
0x24: {  	s3 =	sadd.s32 $0x88, s3;
	s6 =	simm.s32 @!p1 $0x1082;
	[sflag:s4] =	ssyncset.s32 $0xFFFFF086  }
0x25: {  	[simem:s6], [sflag:s4] =	dma.local [hbm:s3], $0xF7A  }
0x26: {  	[smem:$0x3F9F] =	sst s1;
	(tag) =	ssettag s2;
	_ =	strace s9  }
0x27: {  	s1 =	sld [smem:$0x3FAF]  }
0x28: {  	s2 =	sld [smem:$0x3FB0]  }
0x29: {  	s4 =	sld [smem:$0x3FB2]  }
0x2a: {  	p0 =	seq.s32 s5, $0x0;
	s5 =	sld [smem:$0x3FB3]  }
0x2b: {  	s6 =	sld [smem:$0x3FB4]  }
0x2c: {  	s7 =	sld [smem:$0x3FB5]  }
0x2d: {  	s3 =	simm.s32 $0x108;
	s8 =	sld [smem:$0x3FB6]  }
0x2e: {  	s3 =	simm.s32 @!p0 $0x1082;
	s9 =	sld [smem:$0x3FB7]  }
0x2f: {  	lr =	sadd.s32 s0, s3;
	s0 =	sld [smem:$0x3FAE]  }
0x30: {  	s3 =	sld [smem:$0x3FB1]  }
0x31: {  	[smem:$0x3FBA] =	sst s10  }
0x32: {  	s10 =	sld [smem:$0x3FB8];
	_ =	sdelay $0x3  }
0x33: {  	p0 =	seq.s32 s10, $0x1;
	s10 =	sld [smem:$0x3FBA];
	_ =	sdelay $0x3  }
0x34: {  	[smem:$0x3FBA] =	sst s10  }
0x35: {  	s10 =	sld [smem:$0x3FB9];
	_ =	sdelay $0x3  }
0x36: {  	p1 =	seq.s32 s10, $0x1;
	s10 =	sld [smem:$0x3FBA];
	_ =	sdelay $0x3  }
0x37: {  	[smem:$0x3FBA] =	sst s10  }
0x38: {  	s10 =	sld [smem:$0x3FBB]  }
0x39: {  	_ = 	snop;
	(pc) =	sbr.ind lr, $3  }
0x3a: {  	_ = 	snop  }
0x3b: {  	_ = 	snop  }
0x3c: {  	p2 =	seq.s32 s10, $0x1;
	s10 =	sld [smem:$0x3FBA]  }
0x3d: {  	_ =	shalt  }
0x3e: {  	_ =	shalt  }
0x3f: {  	_ =	shalt  }
0x40: {  	_ =	shalt  }
0x41: {  	_ =	shalt  }
0x42: {  	_ =	shalt  }
0x43: {  	_ =	shalt  }
0x44: {  	_ =	shalt  }
0x45: {  	_ =	shalt  }
0x46: {  	_ =	shalt  }
0x47: {  	_ =	shalt  }
0x48: {  	_ =	shalt  }
0x49: {  	_ =	shalt  }
0x4a: {  	_ =	shalt  }
0x4b: {  	_ =	shalt  }
0x4c: {  	_ =	shalt  }
0x4d: {  	_ =	shalt  }
0x4e: {  	_ =	shalt  }
0x4f: {  	_ =	shalt  }
0x50: {  	_ =	shalt  }
0x51: {  	_ =	shalt  }
0x52: {  	_ =	shalt  }
0x53: {  	_ =	shalt  }
0x54: {  	_ =	shalt  }
0x55: {  	_ =	shalt  }
0x56: {  	_ =	shalt  }
0x57: {  	_ =	shalt  }
0x58: {  	_ =	shalt  }
0x59: {  	_ =	shalt  }
0x5a: {  	_ =	shalt  }
0x5b: {  	_ =	shalt  }
0x5c: {  	_ =	shalt  }
0x5d: {  	_ =	shalt  }
0x5e: {  	_ =	shalt  }
0x5f: {  	_ =	shalt  }
0x60: {  	_ =	shalt  }
0x61: {  	_ =	shalt  }
0x62: {  	_ =	shalt  }
0x63: {  	_ =	shalt  }
0x64: {  	_ =	shalt  }
0x65: {  	_ =	shalt  }
0x66: {  	_ =	shalt  }
0x67: {  	_ =	shalt  }
0x68: {  	_ =	shalt  }
0x69: {  	_ =	shalt  }
0x6a: {  	_ =	shalt  }
0x6b: {  	_ =	shalt  }
0x6c: {  	_ =	shalt  }
0x6d: {  	_ =	shalt  }
0x6e: {  	_ =	shalt  }
0x6f: {  	_ =	shalt  }
0x70: {  	_ =	shalt  }
0x71: {  	_ =	shalt  }
0x72: {  	_ =	shalt  }
0x73: {  	_ =	shalt  }
0x74: {  	_ =	shalt  }
0x75: {  	_ =	shalt  }
0x76: {  	_ =	shalt  }
0x77: {  	_ =	shalt  }
0x78: {  	_ =	shalt  }
0x79: {  	_ =	shalt  }
0x7a: {  	_ =	shalt  }
0x7b: {  	_ =	shalt  }
0x7c: {  	_ =	shalt  }
0x7d: {  	_ =	shalt  }
0x7e: {  	_ =	shalt  }
0x7f: {  	_ =	shalt  }
0x80: {  	_ =	shalt  }
0x81: {  	_ =	shalt  }
0x82: {  	_ =	shalt  }
0x83: {  	_ =	shalt  }
0x84: {  	_ =	shalt  }
0x85: {  	_ =	shalt  }
0x86: {  	_ =	shalt  }
0x87: {  	_ =	shalt  }
.Lfunc_end0:
.L_simem_size_0:
called_computation_lowered:
.L_overlay_start_0:
0x88: {  	s2 =	sld [smem:$0x3FD9]  }
0x89: {  	s3 =	sld [smem:$0x3FFE];
	_ =	sdelay $0x1  }
0x8a: {  	s1 =	srdreg.scid  }
0x8b: {  	s0 =	sand.u32 $0x1, s1  }
0x8c: {  	s18 =	sshll.u32 s0, $0xA;
	s2 =	sadd.s32 s3, s2  }
0x8d: {  	s2 =	sadd.s32 s2, s18  }
0x8e: {  	[smem:$0x3FC6] =	sst s2  }
0x8f: {  	_ = 	snop  }
0x90: {  	s2 =	sld [smem:$0x3FC9]  }
0x91: {  	s19 =	sld [smem:$0x3FC8]  }
0x92: {  	s4 =	sld [smem:$0x3FD0];
	(tm) =	ssettm $0x1  }
0x93: {  	s5 =	sld [smem:$0x3FFB];
	_ =	sdelay $0x3  }
0x94: {  	_ =	strace s5  }
0x95: {  	s5 =	sld [smem:$0x3FFC];
	_ =	sdelay $0x3  }
0x96: {  	_ =	strace s5  }
0x97: {  	s5 =	sld [smem:$0x3FFD];
	_ =	sdelay $0x3  }
0x98: {  	_ =	strace s5  }
0x99: {  	_ =	strace $0x8FFFFFFF  }
0x9a: {  	s20 =	sld [smem:$0x3FDB];
	_ =	sdelay $0x1  }
0x9b: {  	s6 =	simm.s32 $_scs_section_size  }
0x9c: {  	s7 =	simm.s32 $_size__tile_overlayer_lowered;
	s8 =	simm.s32 $_tile_overlayer_lowered  }
0x9d: {  	s23 =	simm.s32 $0x1BFF;
	s22 =	sshll.u32 s8, $0x1;
	s5 =	sadd.s32 s6, s20  }
0x9e: {  	s9 =	simm.s32 $0x0;
	s21 =	sshll.u32 s7, $0x1;
	s7 =	sadd.s32 s22, s5  }
0x9f: {  	[timem:s9], [sflag:s23] =	dma.local [hbm:s7], s21  }
0xa0: {  	_ =	swait.ge [sflag:s23], s21  }
0xa1: {  	s6 =	ssub.s32 $0x0, s21;
	[sflag:s23] =	ssyncset.done $0x0  }
0xa2: {  	[sflag:s23] =	ssyncadd.s32 s6;
	_ =	sdelay $0x1  }
0xa3: {  	s24 =	simm.s32 $0x1B8B  }
0xa4: {  	_ =	swait.ge [sflag:s24], $0x1  }
0xa5: {  	[sflag:s24] =	ssyncset.done $0x0  }
0xa6: {  	s25 =	simm.s32 $0x1B8E;
	[sflag:s24] =	ssyncadd.s32 $0xFFFFFFFF  }
0xa7: {  	s26 =	simm.s32 $execute0_lowered;
	[smem:$0x3FD2] =	sst s25  }
0xa8: {  	s6 =	sshll.u32 s26, $0x1;
	_ =	strace $0x80000046;
	[dreg:$0x1] =	wrdreg $0xFFFFFFFF  }
0xa9: {  	s28 =	simm.s32 $_size_execute0_lowered;
	s5 =	sadd.s32 s5, s6;
	[dreg:$0x0] =	wrdreg $0x0  }
0xaa: {  	s6 =	sshll.u32 s28, $0x1;
	[dreg:$0x2] =	wrdreg s5  }
0xab: {  	[dreg:$0x3] =	wrdreg s6  }
0xac: {  	[dreg:$0x4] =	wrdreg $0xC0  }
0xad: {  	_ =	task [dreg:s9], $0x5FFFF  }
0xae: {  	[dreg:$0x1] =	wrdreg $0xFFFFFFFF  }
0xaf: {  	[dreg:$0x0] =	wrdreg $0x60  }
0xb0: {  	[dreg:$0x2] =	wrdreg s2  }
0xb1: {  	[dreg:$0x3] =	wrdreg s19  }
0xb2: {  	[dreg:$0x4] =	wrdreg s4  }
0xb3: {  	[dreg:$0x5] =	wrdreg $0x9  }
0xb4: {  	_ =	task.clear_ibuf [dreg:s9], $0x6FFFF;
	_ =	strace $0x90000046  }
0xb5: {  	s29 =	simm.s32 $0x9;
	_ =	strace $0x80000048  }
0xb6: {  	_ =	swait.ge [sflag:s29], $0x1  }
0xb7: {  	[sflag:s29] =	ssyncadd.s32 $0xFFFFFFFF  }
0xb8: {  	_ =	strace $0x90000048  }
0xb9: {  	_ =	sfence  }
0xba: {  	s30 =	sld [smem:$0x0];
	_ =	sdelay $0x2  }
0xbb: {  	s31 =	sshll.u32 s1, $0xD;
	s1 =	sshrl.u32 s1, $0x2  }
0xbc: {  	s3 =	sand.u32 $0x4000, s31;
	s1 =	sadd.s32 s1, s30  }
0xbd: {  	s0 =	sor.u32 s3, s0;
	s1 =	sshll.u32 s1, $0x11  }
0xbe: {  	s0 =	sor.u32 s1, s0  }
0xbf: {  	s0 =	sadd.s32 $0x8F2B, s0  }
0xc0: {  	[sflag:s0] =	ssyncadd.remote.s32 $0x1  }
0xc1: {  	_ =	sfence.sel $0xFFFF  }
0xc2: {  	[dreg:$0x0] =	wrdreg $0xFFFFFFFF;
	(pc) =	sbr.abs _section_cstart, $3  }
0xc3: {  	[dreg:$0x1] =	wrdreg $0xFFFFFFFF  }
0xc4: {  	_ =	task.clear_ibuf [dreg:s9], $0x2FFFF;
	_ =	strace $0x9FFFFFFF  }
0xc5: {  	(tm) =	ssettm $0x7FFFFFFF  }
tec
execute0_lowered:
.L_overlay_start_1:
0x0: {  	(tag) =	ssettag $0x1  }
0x1: {  	s3 =	rddreg [dreg:$0x0]  }
0x2: {  	s0 =	rddreg [dreg:$0x1]  }
0x3: {  	s4 =	rddreg [dreg:$0x2];
	s1 =	simm.s32 $0x0;
	s2 =	srdreg.scid  }
0x4: {  	s8 =	simm.s32 $0x1200;
	s21 =	simm.s32 $0x2200;
	[dreg:$0x4] =	wrdreg s0  }
0x5: {  	s23 =	simm.s32 $0x3200;
	s24 =	simm.s32 $0x4200;
	s0 =	rddreg [dreg:$0x3]  }
0x6: {  	s25 =	simm.s32 $0x5200;
	s26 =	simm.s32 $0x6200;
	[smem:$0x7FF] =	sst s1  }
0x7: {  	v0 =	vlaneseq.u32;
	s28 =	simm.s32 $0x7200;
	_ =	strace $0x80000047;
	[dreg:$0x5] =	wrdreg s8  }
0x8: {  	s29 =	simm.s32 $0x8200;
	s30 =	simm.s32 $0x9200;
	v0 =	vmul.u32 $0x1000, v0;
	[dreg:$0x6] =	wrdreg s21  }
0x9: {  	s31 =	simm.s32 $0xA200;
	s10 =	simm.s32 $0xB200;
	[dreg:$0x7] =	wrdreg s23  }
0xa: {  	s9 =	simm.s32 $0x200;
	s11 =	simm.s32 $0xD200;
	[dreg:$0x8] =	wrdreg s24;
	v1 =	vor.u32 $0x80, v0  }
0xb: {  	s12 =	simm.s32 $0xE200;
	s13 =	simm.s32 $0xF200;
	[dreg:$0x9] =	wrdreg s25;
	v2 =	vor.u32 $0x100, v0;
	v3 =	vor.u32 $0x180, v0;
	v4 =	vor.u32 $0x200, v0  }
0xc: {  	s14 =	simm.s32 $0x1;
	s15 =	simm.s32 $0x1000;
	[dreg:$0xa] =	wrdreg s26;
	v5 =	vor.u32 $0x280, v0;
	v6 =	vor.u32 $0x300, v0;
	v7 =	vor.u32 $0x380, v0  }
0xd: {  	s16 =	simm.s32 $0x20000;
	s17 =	simm.s32 $0x10200;
	[dreg:$0xb] =	wrdreg s28;
	v8 =	vor.u32 $0x400, v0;
	v9 =	vor.u32 $0x480, v0;
	v10 =	vor.u32 $0x500, v0  }
0xe: {  	s18 =	simm.s32 $0x0;
	s5 =	sand.u32 $0x1, s2;
	[dreg:$0xc] =	wrdreg s29;
	v11 =	vor.u32 $0x580, v0;
	v12 =	vor.u32 $0x600, v0;
	v13 =	vor.u32 $0x680, v0  }
0xf: {  	s2 =	stileid.u32;
	s6 =	ssub.s32 $0x2, s5;
	[dreg:$0xd] =	wrdreg s30;
	v14 =	vor.u32 $0x700, v0;
	v15 =	vor.u32 $0x780, v0;
	v16 =	vor.u32 $0x800, v0  }
0x10: {  	s22 =	sshll.u32 s2, $0xA;
	s5 =	sshll.u32 s5, $0x9;
	[dreg:$0xe] =	wrdreg s31;
	v17 =	vor.u32 $0x880, v0;
	v18 =	vor.u32 $0x900, v0;
	v19 =	vor.u32 $0x980, v0  }
0x11: {  	[dreg:$0xf] =	wrdreg s10;
	s7 =	sshrl.u32 s6, $0x1;
	s5 =	sor.u32 s5, s22;
	v20 =	vor.u32 $0xA00, v0;
	v21 =	vor.u32 $0xA80, v0;
	v22 =	vor.u32 $0xB00, v0  }
0x12: {  	s10 =	simm.s32 $0xC200;
	v23 =	vor.u32 $0xB80, v0;
	v24 =	vor.u32 $0xC00, v0;
	v25 =	vor.u32 $0xC80, v0;
	s6 =	ssub.s32 s6, s7;
	s8 =	sshrl.u32 s5, $0x3  }
0x13: {  	v26 =	vor.u32 $0xD00, v0;
	v27 =	vor.u32 $0xD80, v0;
	v28 =	vor.u32 $0xE00, v0;
	s4 =	sadd.s32 s4, s5;
	s7 =	simm.s32 $0x400;
	s3 =	sadd.s32 s3, s8  }
0x14: {  	v29 =	vor.u32 $0xE80, v0;
	v30 =	vor.u32 $0xF00, v0;
	v31 =	vor.u32 $0xF80, v0;
	s5 =	smax.u32 s6, $0x1;
	s6 =	simm.s32 $0x2;
	s8 =	simm.s32 $0x7A1400  }
.LBB2_1:
0x15: {  	[tilespmem:s1], [sflag:$0x2] =	stream.linear.gather [hbm4b:s3+s1], $0x200, $0x38;
	[tilespmem:$0x14200] =	vst v63  }
0x16: {  	_ =	swait.ge [sflag:s6], $0x200  }
0x17: {  	s19 =	simm.s32 $0x0;
	[sflag:s6] =	ssyncset.done $0x0  }
0x18: {  	s20 =	simm.s32 $0x0;
	s21 =	simm.s32 $0x0;
	[sflag:s6] =	ssyncadd.s32 $0xFFFFFE00  }
.LBB2_2:
0x19: {  	v32 =	vld [tilespmem:s19+$0x0];
	_ =	sdelay $0x4  }
0x1a: {  	s22 =	rddreg [dreg:$0x4];
	v32 =	vand.u32 $0xFFFFFF80, v32  }
0x1b: {  	v32 =	vadd.s32 s22, v32  }
0x1c: {  	(v2sf) =	vpush v32, $0x0;
	_ =	sdelay $0x1  }
0x1d: {  	(v2sf) =	vpush v32, $0x1;
	_ =	sdelay $0x1  }
0x1e: {  	(v2sf) =	vpush v32, $0x2;
	_ =	sdelay $0x1  }
0x1f: {  	(v2sf) =	vpush v32, $0x3;
	_ =	sdelay $0x1  }
0x20: {  	(v2sf) =	vpush v32, $0x4;
	_ =	sdelay $0x1  }
0x21: {  	(v2sf) =	vpush v32, $0x5;
	_ =	sdelay $0x1  }
0x22: {  	(v2sf) =	vpush v32, $0x6;
	_ =	sdelay $0x1  }
0x23: {  	(v2sf) =	vpush v32, $0x7  }
0x24: {  	s30 =	spop (v2sf)  }
0x25: {  	(v2sf) =	vpush v32, $0x8;
	[tilespmem:s9], [sflag:$0x1] =	stream.strided.gather [hbm4b:s30+s7], $0x1000, s8, s7, $0x38;
	[tilespmem:$0x14200] =	vst v63  }
0x26: {  	s23 =	rddreg [dreg:$0x5];
	s31 =	spop (v2sf)  }
0x27: {  	(v2sf) =	vpush v32, $0x9;
	[tilespmem:s23], [sflag:$0x1] =	stream.strided.gather [hbm4b:s31+s7], $0x1000, s8, s7, $0x38;
	[tilespmem:$0x14200] =	vst v63  }
0x28: {  	s24 =	rddreg [dreg:$0x6];
	s25 =	spop (v2sf)  }
0x29: {  	(v2sf) =	vpush v32, $0xA;
	[tilespmem:s24], [sflag:$0x1] =	stream.strided.gather [hbm4b:s25+s7], $0x1000, s8, s7, $0x38;
	[tilespmem:$0x14200] =	vst v63  }
0x2a: {  	s26 =	rddreg [dreg:$0x7];
	s28 =	spop (v2sf)  }
0x2b: {  	(v2sf) =	vpush v32, $0xB;
	[tilespmem:s26], [sflag:$0x1] =	stream.strided.gather [hbm4b:s28+s7], $0x1000, s8, s7, $0x38;
	[tilespmem:$0x14200] =	vst v63  }
0x2c: {  	s29 =	rddreg [dreg:$0x8];
	s30 =	spop (v2sf)  }
0x2d: {  	(v2sf) =	vpush v32, $0xC;
	[tilespmem:s29], [sflag:$0x1] =	stream.strided.gather [hbm4b:s30+s7], $0x1000, s8, s7, $0x38;
	[tilespmem:$0x14200] =	vst v63  }
0x2e: {  	s31 =	rddreg [dreg:$0x9];
	s25 =	spop (v2sf)  }
0x2f: {  	(v2sf) =	vpush v32, $0xD;
	[tilespmem:s31], [sflag:$0x1] =	stream.strided.gather [hbm4b:s25+s7], $0x1000, s8, s7, $0x38;
	[tilespmem:$0x14200] =	vst v63  }
0x30: {  	s26 =	rddreg [dreg:$0xa];
	s28 =	spop (v2sf)  }
0x31: {  	(v2sf) =	vpush v32, $0xE;
	[tilespmem:s26], [sflag:$0x1] =	stream.strided.gather [hbm4b:s28+s7], $0x1000, s8, s7, $0x38;
	[tilespmem:$0x14200] =	vst v63  }
0x32: {  	s29 =	rddreg [dreg:$0xb];
	s30 =	spop (v2sf)  }
0x33: {  	(v2sf) =	vpush v32, $0xF;
	[tilespmem:s29], [sflag:$0x1] =	stream.strided.gather [hbm4b:s30+s7], $0x1000, s8, s7, $0x38;
	[tilespmem:$0x14200] =	vst v63  }
0x34: {  	s31 =	rddreg [dreg:$0xc];
	s23 =	spop (v2sf)  }
0x35: {  	[tilespmem:s31], [sflag:$0x1] =	stream.strided.gather [hbm4b:s23+s7], $0x1000, s8, s7, $0x38;
	[tilespmem:$0x14200] =	vst v63  }
0x36: {  	s25 =	rddreg [dreg:$0xd];
	s26 =	spop (v2sf)  }
0x37: {  	[tilespmem:s25], [sflag:$0x1] =	stream.strided.gather [hbm4b:s26+s7], $0x1000, s8, s7, $0x38;
	[tilespmem:$0x14200] =	vst v63  }
0x38: {  	s28 =	rddreg [dreg:$0xe];
	s29 =	spop (v2sf)  }
0x39: {  	[tilespmem:s28], [sflag:$0x1] =	stream.strided.gather [hbm4b:s29+s7], $0x1000, s8, s7, $0x38;
	[tilespmem:$0x14200] =	vst v63  }
0x3a: {  	s30 =	rddreg [dreg:$0xf];
	s31 =	spop (v2sf)  }
0x3b: {  	[tilespmem:s30], [sflag:$0x1] =	stream.strided.gather [hbm4b:s31+s7], $0x1000, s8, s7, $0x38;
	[tilespmem:$0x14200] =	vst v63  }
0x3c: {  	s24 =	spop (v2sf)  }
0x3d: {  	[tilespmem:s10], [sflag:$0x1] =	stream.strided.gather [hbm4b:s24+s7], $0x1000, s8, s7, $0x38;
	[tilespmem:$0x14200] =	vst v63  }
0x3e: {  	s25 =	spop (v2sf)  }
0x3f: {  	[tilespmem:s11], [sflag:$0x1] =	stream.strided.gather [hbm4b:s25+s7], $0x1000, s8, s7, $0x38;
	[tilespmem:$0x14200] =	vst v63  }
0x40: {  	s26 =	spop (v2sf)  }
0x41: {  	[tilespmem:s12], [sflag:$0x1] =	stream.strided.gather [hbm4b:s26+s7], $0x1000, s8, s7, $0x38;
	[tilespmem:$0x14200] =	vst v63  }
0x42: {  	s28 =	spop (v2sf)  }
0x43: {  	[tilespmem:s13], [sflag:$0x1] =	stream.strided.gather [hbm4b:s28+s7], $0x1000, s8, s7, $0x38;
	[tilespmem:$0x14200] =	vst v63  }
0x44: {  	_ =	swait.ge [sflag:s14], $0x1000  }
0x45: {  	[sflag:s14] =	ssyncset.done $0x0  }
0x46: {  	[sflag:s14] =	ssyncadd.s32 $0xFFFFF000  }
0x47: {  	_ =	swait.ge [sflag:s14], $0x1000  }
0x48: {  	[sflag:s14] =	ssyncset.done $0x0  }
0x49: {  	[sflag:s14] =	ssyncadd.s32 $0xFFFFF000  }
0x4a: {  	_ =	swait.ge [sflag:s14], $0x1000  }
0x4b: {  	[sflag:s14] =	ssyncset.done $0x0  }
0x4c: {  	[sflag:s14] =	ssyncadd.s32 $0xFFFFF000  }
0x4d: {  	_ =	swait.ge [sflag:s14], $0x1000  }
0x4e: {  	[sflag:s14] =	ssyncset.done $0x0  }
0x4f: {  	[sflag:s14] =	ssyncadd.s32 $0xFFFFF000  }
0x50: {  	_ =	swait.ge [sflag:s14], $0x1000  }
0x51: {  	[sflag:s14] =	ssyncset.done $0x0  }
0x52: {  	[sflag:s14] =	ssyncadd.s32 $0xFFFFF000  }
0x53: {  	_ =	swait.ge [sflag:s14], $0x1000  }
0x54: {  	[sflag:s14] =	ssyncset.done $0x0  }
0x55: {  	[sflag:s14] =	ssyncadd.s32 $0xFFFFF000  }
0x56: {  	_ =	swait.ge [sflag:s14], $0x1000  }
0x57: {  	[sflag:s14] =	ssyncset.done $0x0  }
0x58: {  	[sflag:s14] =	ssyncadd.s32 $0xFFFFF000  }
0x59: {  	_ =	swait.ge [sflag:s14], $0x1000  }
0x5a: {  	[sflag:s14] =	ssyncset.done $0x0  }
0x5b: {  	[sflag:s14] =	ssyncadd.s32 $0xFFFFF000  }
0x5c: {  	_ =	swait.ge [sflag:s14], $0x1000  }
0x5d: {  	[sflag:s14] =	ssyncset.done $0x0  }
0x5e: {  	[sflag:s14] =	ssyncadd.s32 $0xFFFFF000  }
0x5f: {  	_ =	swait.ge [sflag:s14], $0x1000  }
0x60: {  	[sflag:s14] =	ssyncset.done $0x0  }
0x61: {  	[sflag:s14] =	ssyncadd.s32 $0xFFFFF000  }
0x62: {  	_ =	swait.ge [sflag:s14], $0x1000  }
0x63: {  	[sflag:s14] =	ssyncset.done $0x0  }
0x64: {  	[sflag:s14] =	ssyncadd.s32 $0xFFFFF000  }
0x65: {  	_ =	swait.ge [sflag:s14], $0x1000  }
0x66: {  	[sflag:s14] =	ssyncset.done $0x0  }
0x67: {  	[sflag:s14] =	ssyncadd.s32 $0xFFFFF000  }
0x68: {  	_ =	swait.ge [sflag:s14], $0x1000  }
0x69: {  	[sflag:s14] =	ssyncset.done $0x0  }
0x6a: {  	[sflag:s14] =	ssyncadd.s32 $0xFFFFF000  }
0x6b: {  	_ =	swait.ge [sflag:s14], $0x1000  }
0x6c: {  	[sflag:s14] =	ssyncset.done $0x0  }
0x6d: {  	[sflag:s14] =	ssyncadd.s32 $0xFFFFF000  }
0x6e: {  	_ =	swait.ge [sflag:s14], $0x1000  }
0x6f: {  	[sflag:s14] =	ssyncset.done $0x0  }
0x70: {  	[sflag:s14] =	ssyncadd.s32 $0xFFFFF000  }
0x71: {  	_ =	swait.ge [sflag:s14], $0x1000  }
0x72: {  	[sflag:s14] =	ssyncset.done $0x0  }
0x73: {  	[sflag:s14] =	ssyncadd.s32 $0xFFFFF000  }
0x74: {  	v62 =	vld [tilespmem:s19+$0x0];
	_ =	sdelay $0x4  }
0x75: {  	v32 =	vand.u32 $0x7F, v62  }
0x76: {  	v33 =	vor.u32 v0, v32;
	_ =	sdelay $0x4  }
0x77: {  	v33 =	vld.idx.msk [tilespmem:v33+s9+$0x0], $0xffff  }
0x78: {  	v34 =	vor.u32 v1, v32;
	_ =	sdelay $0x1  }
0x79: {  	s29 =	sand.u32 $0x70, s21;
	s30 =	sand.u32 $0xC00, s20  }
0x7a: {  	s22 =	sor.u32 s29, s30  }
0x7b: {  	[tilespmem:s22+$0x10200] =	vst v33  }
0x7c: {  	v33 =	vld.idx.msk [tilespmem:v34+s9+$0x0], $0xffff  }
0x7d: {  	v63 =	vor.u32 v2, v32;
	_ =	sdelay $0x3  }
0x7e: {  	[tilespmem:s22+$0x10280] =	vst v33  }
0x7f: {  	v33 =	vld.idx.msk [tilespmem:v63+s9+$0x0], $0xffff  }
0x80: {  	v36 =	vor.u32 v3, v32;
	_ =	sdelay $0x3  }
0x81: {  	[tilespmem:s22+$0x10300] =	vst v33  }
0x82: {  	v33 =	vld.idx.msk [tilespmem:v36+s9+$0x0], $0xffff  }
0x83: {  	v37 =	vor.u32 v4, v32;
	_ =	sdelay $0x3  }
0x84: {  	[tilespmem:s22+$0x10380] =	vst v33  }
0x85: {  	v33 =	vld.idx.msk [tilespmem:v37+s9+$0x0], $0xffff  }
0x86: {  	v38 =	vor.u32 v5, v32;
	_ =	sdelay $0x3  }
0x87: {  	[tilespmem:s22+$0x10400] =	vst v33  }
0x88: {  	v33 =	vld.idx.msk [tilespmem:v38+s9+$0x0], $0xffff  }
0x89: {  	v39 =	vor.u32 v6, v32;
	_ =	sdelay $0x3  }
0x8a: {  	[tilespmem:s22+$0x10480] =	vst v33  }
0x8b: {  	v33 =	vld.idx.msk [tilespmem:v39+s9+$0x0], $0xffff  }
0x8c: {  	v40 =	vor.u32 v7, v32;
	_ =	sdelay $0x3  }
0x8d: {  	[tilespmem:s22+$0x10500] =	vst v33  }
0x8e: {  	v33 =	vld.idx.msk [tilespmem:v40+s9+$0x0], $0xffff  }
0x8f: {  	v41 =	vor.u32 v8, v32;
	_ =	sdelay $0x1  }
0x90: {  	s31 =	sor.u32 s20, s21  }
0x91: {  	s23 =	sor.u32 $0x380, s31  }
0x92: {  	[tilespmem:s23+$0x10200] =	vst v33  }
0x93: {  	v33 =	vld.idx.msk [tilespmem:v41+s9+$0x0], $0xffff  }
0x94: {  	v42 =	vor.u32 v9, v32;
	_ =	sdelay $0x3  }
0x95: {  	[tilespmem:s22+$0x11200] =	vst v33  }
0x96: {  	v33 =	vld.idx.msk [tilespmem:v42+s9+$0x0], $0xffff  }
0x97: {  	v43 =	vor.u32 v10, v32;
	_ =	sdelay $0x3  }
0x98: {  	[tilespmem:s22+$0x11280] =	vst v33  }
0x99: {  	v33 =	vld.idx.msk [tilespmem:v43+s9+$0x0], $0xffff  }
0x9a: {  	v44 =	vor.u32 v11, v32;
	_ =	sdelay $0x3  }
0x9b: {  	[tilespmem:s22+$0x11300] =	vst v33  }
0x9c: {  	v33 =	vld.idx.msk [tilespmem:v44+s9+$0x0], $0xffff  }
0x9d: {  	v45 =	vor.u32 v12, v32;
	_ =	sdelay $0x3  }
0x9e: {  	[tilespmem:s22+$0x11380] =	vst v33  }
0x9f: {  	v33 =	vld.idx.msk [tilespmem:v45+s9+$0x0], $0xffff  }
0xa0: {  	v46 =	vor.u32 v13, v32;
	_ =	sdelay $0x3  }
0xa1: {  	[tilespmem:s22+$0x11400] =	vst v33  }
0xa2: {  	v33 =	vld.idx.msk [tilespmem:v46+s9+$0x0], $0xffff  }
0xa3: {  	v47 =	vor.u32 v14, v32;
	_ =	sdelay $0x3  }
0xa4: {  	[tilespmem:s22+$0x11480] =	vst v33  }
0xa5: {  	v33 =	vld.idx.msk [tilespmem:v47+s9+$0x0], $0xffff  }
0xa6: {  	v48 =	vor.u32 v15, v32;
	_ =	sdelay $0x3  }
0xa7: {  	[tilespmem:s22+$0x11500] =	vst v33  }
0xa8: {  	v33 =	vld.idx.msk [tilespmem:v48+s9+$0x0], $0xffff  }
0xa9: {  	v49 =	vor.u32 v16, v32;
	_ =	sdelay $0x3  }
0xaa: {  	[tilespmem:s22+$0x11580] =	vst v33  }
0xab: {  	v33 =	vld.idx.msk [tilespmem:v49+s9+$0x0], $0xffff  }
0xac: {  	v50 =	vor.u32 v17, v32;
	_ =	sdelay $0x3  }
0xad: {  	[tilespmem:s22+$0x12200] =	vst v33  }
0xae: {  	v33 =	vld.idx.msk [tilespmem:v50+s9+$0x0], $0xffff  }
0xaf: {  	v51 =	vor.u32 v18, v32;
	_ =	sdelay $0x3  }
0xb0: {  	[tilespmem:s22+$0x12280] =	vst v33  }
0xb1: {  	v33 =	vld.idx.msk [tilespmem:v51+s9+$0x0], $0xffff  }
0xb2: {  	v52 =	vor.u32 v19, v32;
	_ =	sdelay $0x3  }
0xb3: {  	[tilespmem:s22+$0x12300] =	vst v33  }
0xb4: {  	v33 =	vld.idx.msk [tilespmem:v52+s9+$0x0], $0xffff  }
0xb5: {  	v53 =	vor.u32 v20, v32;
	_ =	sdelay $0x3  }
0xb6: {  	[tilespmem:s22+$0x12380] =	vst v33  }
0xb7: {  	v33 =	vld.idx.msk [tilespmem:v53+s9+$0x0], $0xffff  }
0xb8: {  	v54 =	vor.u32 v21, v32;
	_ =	sdelay $0x3  }
0xb9: {  	[tilespmem:s22+$0x12400] =	vst v33  }
0xba: {  	v33 =	vld.idx.msk [tilespmem:v54+s9+$0x0], $0xffff  }
0xbb: {  	v55 =	vor.u32 v22, v32;
	_ =	sdelay $0x3  }
0xbc: {  	[tilespmem:s22+$0x12480] =	vst v33  }
0xbd: {  	v33 =	vld.idx.msk [tilespmem:v55+s9+$0x0], $0xffff  }
0xbe: {  	v56 =	vor.u32 v23, v32;
	_ =	sdelay $0x3  }
0xbf: {  	[tilespmem:s22+$0x12500] =	vst v33  }
0xc0: {  	v33 =	vld.idx.msk [tilespmem:v56+s9+$0x0], $0xffff  }
0xc1: {  	v57 =	vor.u32 v24, v32;
	_ =	sdelay $0x3  }
0xc2: {  	[tilespmem:s22+$0x12580] =	vst v33  }
0xc3: {  	v33 =	vld.idx.msk [tilespmem:v57+s9+$0x0], $0xffff  }
0xc4: {  	v58 =	vor.u32 v25, v32;
	_ =	sdelay $0x3  }
0xc5: {  	[tilespmem:s22+$0x13200] =	vst v33  }
0xc6: {  	v33 =	vld.idx.msk [tilespmem:v58+s9+$0x0], $0xffff  }
0xc7: {  	v59 =	vor.u32 v26, v32;
	_ =	sdelay $0x3  }
0xc8: {  	[tilespmem:s22+$0x13280] =	vst v33  }
0xc9: {  	v33 =	vld.idx.msk [tilespmem:v59+s9+$0x0], $0xffff  }
0xca: {  	v60 =	vor.u32 v27, v32;
	_ =	sdelay $0x3  }
0xcb: {  	[tilespmem:s22+$0x13300] =	vst v33  }
0xcc: {  	v33 =	vld.idx.msk [tilespmem:v60+s9+$0x0], $0xffff  }
0xcd: {  	v61 =	vor.u32 v28, v32;
	_ =	sdelay $0x3  }
0xce: {  	[tilespmem:s22+$0x13380] =	vst v33  }
0xcf: {  	v33 =	vld.idx.msk [tilespmem:v61+s9+$0x0], $0xffff  }
0xd0: {  	v62 =	vor.u32 v29, v32;
	_ =	sdelay $0x3  }
0xd1: {  	[tilespmem:s22+$0x13400] =	vst v33  }
0xd2: {  	v33 =	vld.idx.msk [tilespmem:v62+s9+$0x0], $0xffff  }
0xd3: {  	v63 =	vor.u32 v30, v32;
	_ =	sdelay $0x3  }
0xd4: {  	[tilespmem:s22+$0x13480] =	vst v33  }
0xd5: {  	v33 =	vld.idx.msk [tilespmem:v63+s9+$0x0], $0xffff  }
0xd6: {  	v32 =	vor.u32 v31, v32;
	_ =	sdelay $0x3  }
0xd7: {  	[tilespmem:s22+$0x13500] =	vst v33  }
0xd8: {  	p0 =	sne.s32 s21, $0x1F0;
	v32 =	vld.idx.msk [tilespmem:v32+s9+$0x0], $0xffff  }
.Ltmp0:
0xd9: {  	_ = 	snop;
	(pc) =	sbr.rel @p0 .LBB2_2-.Ltmp0, $2  }
0xda: {  	_ =	sdelay $0x2  }
0xdb: {  	s20 =	sadd.s32 $0x80, s20;
	s21 =	sadd.s32 $0x10, s21;
	s19 =	sadd.s32 $0x10, s19;
	[tilespmem:s22+$0x13580] =	vst v32  }
0xdc: {  	s18 =	sadd.s32 $0x1, s18  }
0xdd: {  	p0 =	sne.s32 s18, s5  }
.Ltmp1:
0xde: {  	_ = 	snop;
	(pc) =	sbr.rel @p0 .LBB2_1-.Ltmp1, $4  }
0xdf: {  	[hbm4b:s4+s15] =	stream.strided.scatter [tilespmem:s17], [sflag:$0x2], $0x4000, s16, s15, $0x38;
	[tilespmem:$0x14200] =	vst v63  }
0xe0: {  	_ =	swait.ge [sflag:s6], $0x4000  }
0xe1: {  	[sflag:s6] =	ssyncset.done $0x0  }
0xe2: {  	[sflag:s6] =	ssyncadd.s32 $0xFFFFC000  }
0xe3: {  	_ =	sfence.sel $0x180000  }
0xe4: {  	[bflag:$0x0] =	sbarrier.arrive $0xFFFF  }
0xe5: {  	p0 =	sne.s32 s2, $0x0;
	_ =	strace $0x90000047  }
0xe6: {  	s0 =	sadd.s32 @!p0 $0x100000, s0;
	[bflag:$0x2] =	sbarrier.arrive $0xFFFF  }
0xe7: {  	[sflag:s0] =	ssyncadd.tile.s32 @!p0 $0x1;
	_ =	shalt  }
.Lfunc_end2:
_tile_overlayer_lowered:
.L_overlay_start_2:
0xe8: {  	(tag) =	ssettag $0x2  }
0xe9: {  	s0 =	rddreg [dreg:$0x0];
	s2 =	stileid.u32  }
0xea: {  	s1 =	rddreg [dreg:$0x1];
	p0 =	sne.s32 s2, $0x0  }
0xeb: {  	s3 =	rddreg [dreg:$0x2];
	[bflag:$0x3] =	sbarrier.arrive $0xFFFF;
	s2 =	simm.s32 @!p0 $0x1C02  }
0xec: {  	[timem:s3], [sflag:s2] =	dma.local @!p0 [hbm:s0], s1  }
0xed: {  	s0 =	simm.s32 @!p0 $0x2  }
0xee: {  	_ =	swait.ge @!p0 [sflag:s0], s1  }
0xef: {  	s1 =	ssub.s32 @!p0 $0x0, s1;
	[sflag:s0] =	ssyncset.done @!p0 $0x0  }
0xf0: {  	[sflag:s0] =	ssyncadd.s32 @!p0 s1  }
0xf1: {  	[bflag:$0x3] =	sbarrier.arrive $0xFFFF  }
0xf2: {  	_ =	shalt  }

</sc_bundles>
